<compile_context>
chip_gen: v7x
topology: tpu7x:2x2x1
jax: 0.10.2.dev20260603
libtpu: 0.0.44.dev20260713+nightly
codegen_flags: <defaults>
</compile_context>

<pallas_src>
import functools

import jax
import jax.numpy as jnp
from jax import lax
from jax.experimental import pallas as pl
from jax.experimental.pallas import tpu as pltpu
from jax.experimental.pallas import tpu_sc as plsc

K = 8192
DIM = 256
MEM_DIM = 1024
Q_DIM = 1024
B = 32
S = 2048

NB = 16
KB = K // NB
MARGIN = 0.05
BIG = 3.4e38

_BF = jnp.bfloat16
_F32 = jnp.float32


def _bdot(a, b, dims):
    return lax.dot_general(a.astype(_BF), b.astype(_BF), (dims, ((), ())),
                           preferred_element_type=_F32)


def _attn_vq_body(m0_ref, m1_ref, m2_ref, m3_ref,
                  lens_ref, q_ref, ws_ref, wo_ref, emb_ref,
                  d_ref, v_ref, qp_ref, e2_ref, bm_ref):
    b = pl.program_id(0)

    @pl.when(b == 0)
    def _():
        e = emb_ref[...]
        e2_ref[...] = jnp.sum(e * e, axis=1).reshape(1, K)
        qp_ref[...] = _bdot(q_ref[...], ws_ref[...], (((1,), (1,))))
        d_ref[...] = jnp.full((B, K), BIG, _F32)

    mem_bf = jnp.concatenate(
        [m0_ref[0].astype(_BF), m1_ref[0].astype(_BF),
         m2_ref[0].astype(_BF), m3_ref[0].astype(_BF)], axis=0)
    qp = qp_ref[pl.ds(b, 1), :]
    scores = lax.dot_general(qp.astype(_BF), mem_bf, (((1,), (1,)), ((), ())),
                             preferred_element_type=_F32)
    pos = lax.broadcasted_iota(jnp.int32, (1, S), 1)
    scores = jnp.where(pos < lens_ref[b], scores, -1e9)
    m = jnp.max(scores)
    ex = jnp.exp(scores - m)
    alpha = ex / jnp.sum(ex)
    context = lax.dot_general(alpha.astype(_BF), mem_bf,
                              (((1,), (0,)), ((), ())),
                              preferred_element_type=_F32)
    qrow = q_ref[pl.ds(b, 1), :]
    cat = jnp.concatenate([context, qrow], axis=1)
    V = jnp.tanh(_bdot(cat, wo_ref[...], (((1,), (0,)))))
    v_ref[pl.ds(b, 1), :] = V

    @pl.when(b == B - 1)
    def _():
        Vall = v_ref[...]
        ip = lax.dot_general(Vall, emb_ref[...], (((1,), (1,)), ((), ())),
                             precision=lax.Precision.HIGHEST,
                             preferred_element_type=_F32)
        dfast = e2_ref[...] - 2.0 * ip
        bm_ref[...] = jnp.min(dfast.reshape(B, NB, KB), axis=2)

        def refine(b2, carry):
            bmr = bm_ref[pl.ds(b2, 1), :]
            mn = jnp.min(bmr)
            jb = jnp.argmin(bmr).astype(jnp.int32)
            cnt = jnp.sum((bmr < mn + MARGIN).astype(jnp.int32))
            Vb = v_ref[pl.ds(b2, 1), :]

            @pl.when(cnt == 1)
            def _():
                rows = emb_ref[pl.ds(jb * KB, KB), :]
                diffb = Vb - rows
                db = jnp.sum(diffb * diffb, axis=1)
                d_ref[pl.ds(b2, 1), pl.ds(jb * KB, KB)] = db.reshape(1, KB)

            @pl.when(cnt > 1)
            def _():
                diffa = Vb - emb_ref[...]
                da = jnp.sum(diffa * diffa, axis=1)
                d_ref[pl.ds(b2, 1), :] = da.reshape(1, K)

            return carry

        lax.fori_loop(0, B, refine, 0)


def _attn_vq(input_memory, input_lens, init_query, W_score, W_out, emb):
    return pl.pallas_call(
        _attn_vq_body,
        grid=(B,),
        in_specs=[
            pl.BlockSpec((1, S // 4, MEM_DIM), lambda b: (b, 0, 0)),
            pl.BlockSpec((1, S // 4, MEM_DIM), lambda b: (b, 1, 0)),
            pl.BlockSpec((1, S // 4, MEM_DIM), lambda b: (b, 2, 0)),
            pl.BlockSpec((1, S // 4, MEM_DIM), lambda b: (b, 3, 0)),
            pl.BlockSpec(memory_space=pltpu.SMEM),
            pl.BlockSpec((B, Q_DIM), lambda b: (0, 0)),
            pl.BlockSpec((MEM_DIM, Q_DIM), lambda b: (0, 0)),
            pl.BlockSpec((MEM_DIM + Q_DIM, DIM), lambda b: (0, 0)),
            pl.BlockSpec((K, DIM), lambda b: (0, 0)),
        ],
        out_specs=[
            pl.BlockSpec((B, K), lambda b: (0, 0)),
            pl.BlockSpec((B, DIM), lambda b: (0, 0)),
        ],
        out_shape=[
            jax.ShapeDtypeStruct((B, K), _F32),
            jax.ShapeDtypeStruct((B, DIM), _F32),
        ],
        scratch_shapes=[
            pltpu.VMEM((B, MEM_DIM), _F32),
            pltpu.VMEM((1, K), _F32),
            pltpu.VMEM((B, NB), _F32),
        ],
    )(input_memory, input_memory, input_memory, input_memory,
      input_lens, init_query, W_score, W_out, emb)


def _lane_perm(x, perm):
    return lax.gather(
        x, perm.reshape(16, 1),
        lax.GatherDimensionNumbers(offset_dims=(), collapsed_slice_dims=(0,),
                                   start_index_map=(0,)),
        (1,), mode=lax.GatherScatterMode.PROMISE_IN_BOUNDS)


def _lane_reduce(x, op):
    lane = lax.iota(jnp.int32, 16)
    for k in (1, 2, 4, 8):
        x = op(x, _lane_perm(x, lane ^ k))
    return x


def _sc_body(d_hbm, emb_hbm, v_hbm, coll_hbm, diff_hbm,
             d_v, wq_v, v_v, out_v, sem):
    info = plsc.get_sparse_core_info()
    nc = info.num_cores
    wid = lax.axis_index("s") * nc + lax.axis_index("c")

    pltpu.sync_copy(d_hbm.at[wid], d_v)
    pltpu.sync_copy(v_hbm.at[wid], v_v)

    lane = lax.iota(jnp.int32, 16)
    big = jnp.float32(3.4e38)

    def amin_step(j, carry):
        vmin, imin = carry
        chunk = d_v[pl.ds(j * 16, 16)]
        upd = chunk < vmin
        return (jnp.where(upd, chunk, vmin),
                jnp.where(upd, lane + j * 16, imin))

    vmin0 = jnp.full((16,), big, _F32)
    imin0 = jnp.full((16,), 2**30, jnp.int32)
    vmin, imin = lax.fori_loop(0, K // 16, amin_step, (vmin0, imin0))
    gmin = _lane_reduce(vmin, jnp.minimum)
    gidx = _lane_reduce(jnp.where(vmin == gmin, imin, 2**30), jnp.minimum)

    pltpu.async_copy(emb_hbm.at[gidx], wq_v, sem).wait()

    acc = jnp.zeros((16,), _F32)
    for c in range(DIM // 16):
        t = wq_v[0, pl.ds(c * 16, 16)] - v_v[pl.ds(c * 16, 16)]
        acc = acc + t * t
    diff = _lane_reduce(acc, jnp.add)

    pltpu.sync_copy(wq_v.at[0], coll_hbm.at[wid, 0])
    out_v[...] = diff
    pltpu.sync_copy(out_v, diff_hbm.at[wid])


def _sc_select(d, emb, V):
    mesh = plsc.VectorSubcoreMesh(core_axis_name="c", subcore_axis_name="s")
    k = pl.kernel(
        _sc_body,
        out_type=(jax.ShapeDtypeStruct((B, 1, DIM), _F32),
                  jax.ShapeDtypeStruct((B, 16), _F32)),
        mesh=mesh,
        scratch_types=[
            pltpu.VMEM((K,), _F32),
            pltpu.VMEM((16, DIM), _F32),
            pltpu.VMEM((DIM,), _F32),
            pltpu.VMEM((16,), _F32),
            pltpu.SemaphoreType.DMA,
        ],
    )
    return k(d, emb, V)


def kernel(input_memory, input_lens, init_query, W_score, W_out, emb):
    lens32 = input_lens.astype(jnp.int32)
    d, V = _attn_vq(input_memory, lens32, init_query, W_score, W_out, emb)
    collected, diffpad = _sc_select(d, emb, V)
    diff = diffpad[:, 0]
    return (collected, diff, diff)

# --- scband reference (transcript-rebuilt; emitter-appended) ---
"""Pipeline reference for scband-latent-node-88029649699591 (READ-ONLY COPY).

The authoritative reference and input builder live on the scoring server;
editing this copy changes nothing except your own understanding.
"""

import jax, jax.numpy as jnp
import numpy as np

K = 8192
DIM = 256
MEM_DIM = 1024
Q_DIM = 1024
B = 32
S = 2048


def setup_inputs(seed: int = 0) -> dict:
    key = jax.random.key(seed)
    ks = jax.random.split(key, 6)
    input_memory = jax.random.normal(ks[0], (B, S, MEM_DIM), dtype=jnp.float32)
    input_lens = jax.random.randint(ks[1], (B,), 1, S + 1, dtype=jnp.int64 if jax.config.jax_enable_x64 else jnp.int32)
    init_query = jax.random.normal(ks[2], (B, Q_DIM), dtype=jnp.float32)
    # Attention params: bilinear score weight + output projection (Luong 'general' attention)
    W_score = jax.random.normal(ks[3], (MEM_DIM, Q_DIM), dtype=jnp.float32) / np.sqrt(Q_DIM)
    W_out = jax.random.normal(ks[4], (MEM_DIM + Q_DIM, DIM), dtype=jnp.float32) / np.sqrt(MEM_DIM + Q_DIM)
    # Codebook embeddings, xavier-uniform style scale
    bound = float(np.sqrt(6.0 / (K + DIM)))
    emb = jax.random.uniform(ks[5], (K, DIM), dtype=jnp.float32, minval=-bound, maxval=bound)
    return {
        'input_memory': input_memory,
        'input_lens': input_lens,
        'init_query': init_query,
        'W_score': W_score,
        'W_out': W_out,
        'emb': emb,
    }


def _attention(query, memory, lens, W_score, W_out):
    # scores_{bs} = m_{bs}^T W_score q_b  (bilinear / 'general' attention)
    qp = query @ W_score.T                      # [B, MEM_DIM]
    scores = jnp.einsum('bsm,bm->bs', memory, qp)  # [B, S]
    mask = jnp.arange(memory.shape[1])[None, :] < lens[:, None]
    scores = jnp.where(mask, scores, -1e9)
    alpha = jax.nn.softmax(scores, axis=1)
    context = jnp.einsum('bs,bsm->bm', alpha, memory)  # [B, MEM_DIM]
    V = jnp.tanh(jnp.concatenate([context, query], axis=1) @ W_out)  # [B, DIM]
    return V, alpha


def reference(input_memory, input_lens, init_query, W_score, W_out, emb):
    # Root node infer_: attend with init_query, then straight-through VQ against codebook
    V, scores = _attention(init_query, input_memory, input_lens, W_score, W_out)
    batch_size = V.shape[0]
    # L2 distance to every codebook entry, argmin over K (same broadcast as torch code)
    d = jnp.sum((V.reshape(batch_size, 1, DIM) - emb.reshape(1, K, DIM)) ** 2, axis=2)  # [B, K]
    argmins = jnp.argmin(d, axis=1)
    Wq = jnp.take(emb, argmins, axis=0)  # [B, DIM]
    # straight-through estimator value
    value = jax.lax.stop_gradient(Wq) + V - jax.lax.stop_gradient(V)
    diff0 = jnp.sum((jax.lax.stop_gradient(Wq) - V) ** 2, axis=1)  # commitment term
    diff1 = jnp.sum((Wq - jax.lax.stop_gradient(V)) ** 2, axis=1)  # codebook term
    # collect(): root stacks latent list along dim 1 -> [B, 1, DIM]
    collected = value[:, None, :]
    return (collected, diff0, diff1)

if __name__ == "__main__":
    import jax
    _d = setup_inputs()
    print(jax.jit(kernel)(*tuple(_d.values())))

</pallas_src>

<mosaic_0001>
#map = affine_map<(d0, d1) -> (0, 0)>
#map1 = affine_map<(d0, d1) -> (0, 0, 0)>
module attributes {stable_mosaic.version = 14 : i64} {
  func.func @_sc_body(%arg0: i32, %arg1: i32, %arg2: memref<32x8192xf32, #tpu.memory_space<hbm>>, %arg3: memref<8192x256xf32, #tpu.memory_space<hbm>>, %arg4: memref<32x256xf32, #tpu.memory_space<hbm>>, %arg5: memref<32x1x256xf32, #tpu.memory_space<hbm>>, %arg6: memref<32x16xf32, #tpu.memory_space<hbm>>, %arg7: memref<8192xf32, #tpu.memory_space<vmem>>, %arg8: memref<16x256xf32, #tpu.memory_space<vmem>>, %arg9: memref<256xf32, #tpu.memory_space<vmem>>, %arg10: memref<16xf32, #tpu.memory_space<vmem>>, %arg11: memref<!tpu.dma_semaphore, #tpu.memory_space<semaphore_mem>>) attributes {dimension_semantics = [#tpu.dimension_semantics<core_parallel>, #tpu.dimension_semantics<subcore_parallel>], iteration_bounds = array<i64: 2, 16>, scalar_prefetch = 0 : i64, scratch_operands = 5 : i64, tpu.core_type = #tpu.core_type<sc_vector_subcore>, window_params = [{transform_indices = #map}, {transform_indices = #map}, {transform_indices = #map}, {transform_indices = #map1}, {transform_indices = #map}]} {
    %mul3A = arith.constant 2 : i32
    %mul3A_0 = arith.muli %arg1, %mul3A : i32
    %add3A = arith.addi %mul3A_0, %arg0 : i32
    "tpu.region"() ({
      %run_scoped3A_277 = tpu.sem_alloc : memref<!tpu.dma_semaphore, #tpu.memory_space<semaphore_mem>>
      %dma_start3A_278 = arith.constant 0 : i32
      %dma_start3A_279 = tpu.memref_slice %arg2[%add3A, %dma_start3A_278] : memref<32x8192xf32, #tpu.memory_space<hbm>> -> memref<1x8192xf32, #tpu.memory_space<hbm>>
      %dma_start3A_280 = tpu.memref_squeeze %dma_start3A_279 : memref<1x8192xf32, #tpu.memory_space<hbm>> -> memref<8192xf32, #tpu.memory_space<hbm>>
      %dma_start3A_281 = arith.constant 0 : i32
      %dma_start3A_282 = tpu.memref_slice %arg2[%add3A, %dma_start3A_281] : memref<32x8192xf32, #tpu.memory_space<hbm>> -> memref<1x8192xf32, #tpu.memory_space<hbm>>
      %dma_start3A_283 = tpu.memref_squeeze %dma_start3A_282 : memref<1x8192xf32, #tpu.memory_space<hbm>> -> memref<8192xf32, #tpu.memory_space<hbm>>
      tpu.enqueue_dma source(%dma_start3A_283 : memref<8192xf32, #tpu.memory_space<hbm>>) target(%arg7 : memref<8192xf32, #tpu.memory_space<vmem>>) target_semaphore(%run_scoped3A_277 : memref<!tpu.dma_semaphore, #tpu.memory_space<semaphore_mem>>)
      %dma_wait3A_284 = arith.constant 0 : i32
      %dma_wait3A_285 = tpu.memref_slice %arg2[%add3A, %dma_wait3A_284] : memref<32x8192xf32, #tpu.memory_space<hbm>> -> memref<1x8192xf32, #tpu.memory_space<hbm>>
      %dma_wait3A_286 = tpu.memref_squeeze %dma_wait3A_285 : memref<1x8192xf32, #tpu.memory_space<hbm>> -> memref<8192xf32, #tpu.memory_space<hbm>>
      %dma_wait3A_287 = arith.constant 0 : i32
      %dma_wait3A_288 = tpu.memref_slice %arg2[%add3A, %dma_wait3A_287] : memref<32x8192xf32, #tpu.memory_space<hbm>> -> memref<1x8192xf32, #tpu.memory_space<hbm>>
      %dma_wait3A_289 = tpu.memref_squeeze %dma_wait3A_288 : memref<1x8192xf32, #tpu.memory_space<hbm>> -> memref<8192xf32, #tpu.memory_space<hbm>>
      tpu.wait_dma2 semaphore(%run_scoped3A_277 : memref<!tpu.dma_semaphore, #tpu.memory_space<semaphore_mem>>) src(%dma_wait3A_289 : memref<8192xf32, #tpu.memory_space<hbm>>) dst(%arg7 : memref<8192xf32, #tpu.memory_space<vmem>>)
      tpu.yield
    }) : () -> ()
    "tpu.region"() ({
      %run_scoped3A_277 = tpu.sem_alloc : memref<!tpu.dma_semaphore, #tpu.memory_space<semaphore_mem>>
      %dma_start3A_278 = arith.constant 0 : i32
      %dma_start3A_279 = tpu.memref_slice %arg4[%add3A, %dma_start3A_278] : memref<32x256xf32, #tpu.memory_space<hbm>> -> memref<1x256xf32, #tpu.memory_space<hbm>>
      %dma_start3A_280 = tpu.memref_squeeze %dma_start3A_279 : memref<1x256xf32, #tpu.memory_space<hbm>> -> memref<256xf32, #tpu.memory_space<hbm>>
      %dma_start3A_281 = arith.constant 0 : i32
      %dma_start3A_282 = tpu.memref_slice %arg4[%add3A, %dma_start3A_281] : memref<32x256xf32, #tpu.memory_space<hbm>> -> memref<1x256xf32, #tpu.memory_space<hbm>>
      %dma_start3A_283 = tpu.memref_squeeze %dma_start3A_282 : memref<1x256xf32, #tpu.memory_space<hbm>> -> memref<256xf32, #tpu.memory_space<hbm>>
      tpu.enqueue_dma source(%dma_start3A_283 : memref<256xf32, #tpu.memory_space<hbm>>) target(%arg9 : memref<256xf32, #tpu.memory_space<vmem>>) target_semaphore(%run_scoped3A_277 : memref<!tpu.dma_semaphore, #tpu.memory_space<semaphore_mem>>)
      %dma_wait3A_284 = arith.constant 0 : i32
      %dma_wait3A_285 = tpu.memref_slice %arg4[%add3A, %dma_wait3A_284] : memref<32x256xf32, #tpu.memory_space<hbm>> -> memref<1x256xf32, #tpu.memory_space<hbm>>
      %dma_wait3A_286 = tpu.memref_squeeze %dma_wait3A_285 : memref<1x256xf32, #tpu.memory_space<hbm>> -> memref<256xf32, #tpu.memory_space<hbm>>
      %dma_wait3A_287 = arith.constant 0 : i32
      %dma_wait3A_288 = tpu.memref_slice %arg4[%add3A, %dma_wait3A_287] : memref<32x256xf32, #tpu.memory_space<hbm>> -> memref<1x256xf32, #tpu.memory_space<hbm>>
      %dma_wait3A_289 = tpu.memref_squeeze %dma_wait3A_288 : memref<1x256xf32, #tpu.memory_space<hbm>> -> memref<256xf32, #tpu.memory_space<hbm>>
      tpu.wait_dma2 semaphore(%run_scoped3A_277 : memref<!tpu.dma_semaphore, #tpu.memory_space<semaphore_mem>>) src(%dma_wait3A_289 : memref<256xf32, #tpu.memory_space<hbm>>) dst(%arg9 : memref<256xf32, #tpu.memory_space<vmem>>)
      tpu.yield
    }) : () -> ()
    %iota3A = tpu.iota {dimensions = array<i32: 0>} : vector<16xi32>
    %broadcast_in_dim3A = arith.constant 3.400000e+38 : f32
    %broadcast_in_dim3A_1 = vector.broadcast %broadcast_in_dim3A : f32 to vector<16xf32>
    %broadcast_in_dim3A_2 = arith.constant 1073741824 : i32
    %broadcast_in_dim3A_3 = vector.broadcast %broadcast_in_dim3A_2 : i32 to vector<16xi32>
    %scan3A = arith.constant 0 : i32
    %scan3A_4 = arith.constant 512 : i32
    %scan3A_5 = arith.addi %scan3A, %scan3A_4 : i32
    %scan3A_6 = arith.constant 1 : i32
    %scan3A_7:2 = scf.for %scan3A_277 = %scan3A to %scan3A_5 step %scan3A_6 iter_args(%scan3A_278 = %broadcast_in_dim3A_1, %scan3A_279 = %broadcast_in_dim3A_3) -> (vector<16xf32>, vector<16xi32>)  : i32 {
      %mul3A_280 = arith.constant 16 : i32
      %mul3A_281 = arith.muli %scan3A_277, %mul3A_280 : i32
      %get3A_282 = arith.index_cast %mul3A_281 : i32 to index
      %get3A_283 = tpu.vector_load %arg7[%get3A_282] {strides = array<i32>} : memref<8192xf32, #tpu.memory_space<vmem>>, vector<16xf32>,
      %get3A_284 = vector.shape_cast %get3A_283 : vector<16xf32> to vector<16xf32>
      %lt3A = arith.cmpf olt, %get3A_284, %scan3A_278 : vector<16xf32>
      %select_n3A_285 = arith.select %lt3A, %get3A_284, %scan3A_278 : vector<16xi1>, vector<16xf32>
      %mul3A_286 = arith.constant 16 : i32
      %mul3A_287 = arith.muli %scan3A_277, %mul3A_286 : i32
      %add3A_288 = vector.broadcast %mul3A_287 : i32 to vector<16xi32>
      %add3A_289 = arith.addi %iota3A, %add3A_288 : vector<16xi32>
      %select_n3A_290 = arith.select %lt3A, %add3A_289, %scan3A_279 : vector<16xi1>, vector<16xi32>
      scf.yield %select_n3A_285, %select_n3A_290 : vector<16xf32>, vector<16xi32>
    }
    %scan3A_8 = arith.constant 512 : i32
    %iota3A_9 = tpu.iota {dimensions = array<i32: 0>} : vector<16xi32>
    %xor3A = arith.constant 1 : i32
    %xor3A_10 = vector.broadcast %xor3A : i32 to vector<16xi32>
    %xor3A_11 = arith.xori %iota3A_9, %xor3A_10 : vector<16xi32>
    %reshape3A = vector.shape_cast %xor3A_11 : vector<16xi32> to vector<16x1xi32>
    %gather3A = vector.shape_cast %reshape3A : vector<16x1xi32> to vector<16xi32>
    %gather3A_12 = tpu.dynamic_gather %scan3A_7#0[%gather3A] in [0] : vector<16xf32>, vector<16xi32> -> vector<16xf32>
    %min3A = arith.minimumf %scan3A_7#0, %gather3A_12 : vector<16xf32>
    %xor3A_13 = arith.constant 2 : i32
    %xor3A_14 = vector.broadcast %xor3A_13 : i32 to vector<16xi32>
    %xor3A_15 = arith.xori %iota3A_9, %xor3A_14 : vector<16xi32>
    %reshape3A_16 = vector.shape_cast %xor3A_15 : vector<16xi32> to vector<16x1xi32>
    %gather3A_17 = vector.shape_cast %reshape3A_16 : vector<16x1xi32> to vector<16xi32>
    %gather3A_18 = tpu.dynamic_gather %min3A[%gather3A_17] in [0] : vector<16xf32>, vector<16xi32> -> vector<16xf32>
    %min3A_19 = arith.minimumf %min3A, %gather3A_18 : vector<16xf32>
    %xor3A_20 = arith.constant 4 : i32
    %xor3A_21 = vector.broadcast %xor3A_20 : i32 to vector<16xi32>
    %xor3A_22 = arith.xori %iota3A_9, %xor3A_21 : vector<16xi32>
    %reshape3A_23 = vector.shape_cast %xor3A_22 : vector<16xi32> to vector<16x1xi32>
    %gather3A_24 = vector.shape_cast %reshape3A_23 : vector<16x1xi32> to vector<16xi32>
    %gather3A_25 = tpu.dynamic_gather %min3A_19[%gather3A_24] in [0] : vector<16xf32>, vector<16xi32> -> vector<16xf32>
    %min3A_26 = arith.minimumf %min3A_19, %gather3A_25 : vector<16xf32>
    %xor3A_27 = arith.constant 8 : i32
    %xor3A_28 = vector.broadcast %xor3A_27 : i32 to vector<16xi32>
    %xor3A_29 = arith.xori %iota3A_9, %xor3A_28 : vector<16xi32>
    %reshape3A_30 = vector.shape_cast %xor3A_29 : vector<16xi32> to vector<16x1xi32>
    %gather3A_31 = vector.shape_cast %reshape3A_30 : vector<16x1xi32> to vector<16xi32>
    %gather3A_32 = tpu.dynamic_gather %min3A_26[%gather3A_31] in [0] : vector<16xf32>, vector<16xi32> -> vector<16xf32>
    %min3A_33 = arith.minimumf %min3A_26, %gather3A_32 : vector<16xf32>
    %eq3A = arith.cmpf oeq, %scan3A_7#0, %min3A_33 : vector<16xf32>
    %jit3A = arith.constant 1073741824 : i32
    %broadcast_in_dim3A_34 = vector.broadcast %jit3A : i32 to vector<16xi32>
    %select_n3A = arith.select %eq3A, %scan3A_7#1, %broadcast_in_dim3A_34 : vector<16xi1>, vector<16xi32>
    %iota3A_35 = tpu.iota {dimensions = array<i32: 0>} : vector<16xi32>
    %xor3A_36 = arith.constant 1 : i32
    %xor3A_37 = vector.broadcast %xor3A_36 : i32 to vector<16xi32>
    %xor3A_38 = arith.xori %iota3A_35, %xor3A_37 : vector<16xi32>
    %reshape3A_39 = vector.shape_cast %xor3A_38 : vector<16xi32> to vector<16x1xi32>
    %gather3A_40 = vector.shape_cast %reshape3A_39 : vector<16x1xi32> to vector<16xi32>
    %gather3A_41 = tpu.dynamic_gather %select_n3A[%gather3A_40] in [0] : vector<16xi32>, vector<16xi32> -> vector<16xi32>
    %min3A_42 = arith.minsi %select_n3A, %gather3A_41 : vector<16xi32>
    %xor3A_43 = arith.constant 2 : i32
    %xor3A_44 = vector.broadcast %xor3A_43 : i32 to vector<16xi32>
    %xor3A_45 = arith.xori %iota3A_35, %xor3A_44 : vector<16xi32>
    %reshape3A_46 = vector.shape_cast %xor3A_45 : vector<16xi32> to vector<16x1xi32>
    %gather3A_47 = vector.shape_cast %reshape3A_46 : vector<16x1xi32> to vector<16xi32>
    %gather3A_48 = tpu.dynamic_gather %min3A_42[%gather3A_47] in [0] : vector<16xi32>, vector<16xi32> -> vector<16xi32>
    %min3A_49 = arith.minsi %min3A_42, %gather3A_48 : vector<16xi32>
    %xor3A_50 = arith.constant 4 : i32
    %xor3A_51 = vector.broadcast %xor3A_50 : i32 to vector<16xi32>
    %xor3A_52 = arith.xori %iota3A_35, %xor3A_51 : vector<16xi32>
    %reshape3A_53 = vector.shape_cast %xor3A_52 : vector<16xi32> to vector<16x1xi32>
    %gather3A_54 = vector.shape_cast %reshape3A_53 : vector<16x1xi32> to vector<16xi32>
    %gather3A_55 = tpu.dynamic_gather %min3A_49[%gather3A_54] in [0] : vector<16xi32>, vector<16xi32> -> vector<16xi32>
    %min3A_56 = arith.minsi %min3A_49, %gather3A_55 : vector<16xi32>
    %xor3A_57 = arith.constant 8 : i32
    %xor3A_58 = vector.broadcast %xor3A_57 : i32 to vector<16xi32>
    %xor3A_59 = arith.xori %iota3A_35, %xor3A_58 : vector<16xi32>
    %reshape3A_60 = vector.shape_cast %xor3A_59 : vector<16xi32> to vector<16x1xi32>
    %gather3A_61 = vector.shape_cast %reshape3A_60 : vector<16x1xi32> to vector<16xi32>
    %gather3A_62 = tpu.dynamic_gather %min3A_56[%gather3A_61] in [0] : vector<16xi32>, vector<16xi32> -> vector<16xi32>
    %min3A_63 = arith.minsi %min3A_56, %gather3A_62 : vector<16xi32>
    %dma_start3A = arith.constant 0 : i32
    %dma_start3A_64 = arith.constant 0 : i32
    %dma_start3A_65 = tpu.memref_slice %arg3[%dma_start3A, %dma_start3A_64] : memref<8192x256xf32, #tpu.memory_space<hbm>> -> memref<8192x256xf32, #tpu.memory_space<hbm>>
    tpu.enqueue_indirect_dma source(%dma_start3A_65 : memref<8192x256xf32, #tpu.memory_space<hbm>>) target(%arg8 : memref<16x256xf32, #tpu.memory_space<vmem>>) offsets(%min3A_63 : vector<16xi32>) semaphore(%arg11 : memref<!tpu.dma_semaphore, #tpu.memory_space<semaphore_mem>>)
    %dma_wait3A = arith.constant 0 : i32
    %dma_wait3A_66 = arith.constant 0 : i32
    %dma_wait3A_67 = tpu.memref_slice %arg3[%dma_wait3A, %dma_wait3A_66] : memref<8192x256xf32, #tpu.memory_space<hbm>> -> memref<8192x256xf32, #tpu.memory_space<hbm>>
    tpu.wait_indirect_dma semaphore(%arg11 : memref<!tpu.dma_semaphore, #tpu.memory_space<semaphore_mem>>) src(%dma_wait3A_67 : memref<8192x256xf32, #tpu.memory_space<hbm>>) dst(%arg8 : memref<16x256xf32, #tpu.memory_space<vmem>>)
    %broadcast_in_dim3A_68 = arith.constant 0.000000e+00 : f32
    %broadcast_in_dim3A_69 = vector.broadcast %broadcast_in_dim3A_68 : f32 to vector<16xf32>
    %get3A = arith.constant 0 : i32
    %get3A_70 = arith.index_cast %get3A : i32 to index
    %get3A_71 = arith.constant 0 : index
    %get3A_72 = tpu.vector_load %arg8[%get3A_70, %get3A_71] {strides = array<i32>} : memref<16x256xf32, #tpu.memory_space<vmem>>, vector<1x16xf32>,
    %get3A_73 = vector.shape_cast %get3A_72 : vector<1x16xf32> to vector<16xf32>
    %get3A_74 = arith.constant 0 : index
    %get3A_75 = tpu.vector_load %arg9[%get3A_74] {strides = array<i32>} : memref<256xf32, #tpu.memory_space<vmem>>, vector<16xf32>,
    %get3A_76 = vector.shape_cast %get3A_75 : vector<16xf32> to vector<16xf32>
    %sub3A = arith.subf %get3A_73, %get3A_76 : vector<16xf32>
    %mul3A_77 = arith.mulf %sub3A, %sub3A : vector<16xf32>
    %add3A_78 = arith.addf %broadcast_in_dim3A_69, %mul3A_77 : vector<16xf32>
    %get3A_79 = arith.constant 0 : i32
    %get3A_80 = arith.index_cast %get3A_79 : i32 to index
    %get3A_81 = arith.constant 16 : index
    %get3A_82 = tpu.vector_load %arg8[%get3A_80, %get3A_81] {strides = array<i32>} : memref<16x256xf32, #tpu.memory_space<vmem>>, vector<1x16xf32>,
    %get3A_83 = vector.shape_cast %get3A_82 : vector<1x16xf32> to vector<16xf32>
    %get3A_84 = arith.constant 16 : index
    %get3A_85 = tpu.vector_load %arg9[%get3A_84] {strides = array<i32>} : memref<256xf32, #tpu.memory_space<vmem>>, vector<16xf32>,
    %get3A_86 = vector.shape_cast %get3A_85 : vector<16xf32> to vector<16xf32>
    %sub3A_87 = arith.subf %get3A_83, %get3A_86 : vector<16xf32>
    %mul3A_88 = arith.mulf %sub3A_87, %sub3A_87 : vector<16xf32>
    %add3A_89 = arith.addf %add3A_78, %mul3A_88 : vector<16xf32>
    %get3A_90 = arith.constant 0 : i32
    %get3A_91 = arith.index_cast %get3A_90 : i32 to index
    %get3A_92 = arith.constant 32 : index
    %get3A_93 = tpu.vector_load %arg8[%get3A_91, %get3A_92] {strides = array<i32>} : memref<16x256xf32, #tpu.memory_space<vmem>>, vector<1x16xf32>,
    %get3A_94 = vector.shape_cast %get3A_93 : vector<1x16xf32> to vector<16xf32>
    %get3A_95 = arith.constant 32 : index
    %get3A_96 = tpu.vector_load %arg9[%get3A_95] {strides = array<i32>} : memref<256xf32, #tpu.memory_space<vmem>>, vector<16xf32>,
    %get3A_97 = vector.shape_cast %get3A_96 : vector<16xf32> to vector<16xf32>
    %sub3A_98 = arith.subf %get3A_94, %get3A_97 : vector<16xf32>
    %mul3A_99 = arith.mulf %sub3A_98, %sub3A_98 : vector<16xf32>
    %add3A_100 = arith.addf %add3A_89, %mul3A_99 : vector<16xf32>
    %get3A_101 = arith.constant 0 : i32
    %get3A_102 = arith.index_cast %get3A_101 : i32 to index
    %get3A_103 = arith.constant 48 : index
    %get3A_104 = tpu.vector_load %arg8[%get3A_102, %get3A_103] {strides = array<i32>} : memref<16x256xf32, #tpu.memory_space<vmem>>, vector<1x16xf32>,
    %get3A_105 = vector.shape_cast %get3A_104 : vector<1x16xf32> to vector<16xf32>
    %get3A_106 = arith.constant 48 : index
    %get3A_107 = tpu.vector_load %arg9[%get3A_106] {strides = array<i32>} : memref<256xf32, #tpu.memory_space<vmem>>, vector<16xf32>,
    %get3A_108 = vector.shape_cast %get3A_107 : vector<16xf32> to vector<16xf32>
    %sub3A_109 = arith.subf %get3A_105, %get3A_108 : vector<16xf32>
    %mul3A_110 = arith.mulf %sub3A_109, %sub3A_109 : vector<16xf32>
    %add3A_111 = arith.addf %add3A_100, %mul3A_110 : vector<16xf32>
    %get3A_112 = arith.constant 0 : i32
    %get3A_113 = arith.index_cast %get3A_112 : i32 to index
    %get3A_114 = arith.constant 64 : index
    %get3A_115 = tpu.vector_load %arg8[%get3A_113, %get3A_114] {strides = array<i32>} : memref<16x256xf32, #tpu.memory_space<vmem>>, vector<1x16xf32>,
    %get3A_116 = vector.shape_cast %get3A_115 : vector<1x16xf32> to vector<16xf32>
    %get3A_117 = arith.constant 64 : index
    %get3A_118 = tpu.vector_load %arg9[%get3A_117] {strides = array<i32>} : memref<256xf32, #tpu.memory_space<vmem>>, vector<16xf32>,
    %get3A_119 = vector.shape_cast %get3A_118 : vector<16xf32> to vector<16xf32>
    %sub3A_120 = arith.subf %get3A_116, %get3A_119 : vector<16xf32>
    %mul3A_121 = arith.mulf %sub3A_120, %sub3A_120 : vector<16xf32>
    %add3A_122 = arith.addf %add3A_111, %mul3A_121 : vector<16xf32>
    %get3A_123 = arith.constant 0 : i32
    %get3A_124 = arith.index_cast %get3A_123 : i32 to index
    %get3A_125 = arith.constant 80 : index
    %get3A_126 = tpu.vector_load %arg8[%get3A_124, %get3A_125] {strides = array<i32>} : memref<16x256xf32, #tpu.memory_space<vmem>>, vector<1x16xf32>,
    %get3A_127 = vector.shape_cast %get3A_126 : vector<1x16xf32> to vector<16xf32>
    %get3A_128 = arith.constant 80 : index
    %get3A_129 = tpu.vector_load %arg9[%get3A_128] {strides = array<i32>} : memref<256xf32, #tpu.memory_space<vmem>>, vector<16xf32>,
    %get3A_130 = vector.shape_cast %get3A_129 : vector<16xf32> to vector<16xf32>
    %sub3A_131 = arith.subf %get3A_127, %get3A_130 : vector<16xf32>
    %mul3A_132 = arith.mulf %sub3A_131, %sub3A_131 : vector<16xf32>
    %add3A_133 = arith.addf %add3A_122, %mul3A_132 : vector<16xf32>
    %get3A_134 = arith.constant 0 : i32
    %get3A_135 = arith.index_cast %get3A_134 : i32 to index
    %get3A_136 = arith.constant 96 : index
    %get3A_137 = tpu.vector_load %arg8[%get3A_135, %get3A_136] {strides = array<i32>} : memref<16x256xf32, #tpu.memory_space<vmem>>, vector<1x16xf32>,
    %get3A_138 = vector.shape_cast %get3A_137 : vector<1x16xf32> to vector<16xf32>
    %get3A_139 = arith.constant 96 : index
    %get3A_140 = tpu.vector_load %arg9[%get3A_139] {strides = array<i32>} : memref<256xf32, #tpu.memory_space<vmem>>, vector<16xf32>,
    %get3A_141 = vector.shape_cast %get3A_140 : vector<16xf32> to vector<16xf32>
    %sub3A_142 = arith.subf %get3A_138, %get3A_141 : vector<16xf32>
    %mul3A_143 = arith.mulf %sub3A_142, %sub3A_142 : vector<16xf32>
    %add3A_144 = arith.addf %add3A_133, %mul3A_143 : vector<16xf32>
    %get3A_145 = arith.constant 0 : i32
    %get3A_146 = arith.index_cast %get3A_145 : i32 to index
    %get3A_147 = arith.constant 112 : index
    %get3A_148 = tpu.vector_load %arg8[%get3A_146, %get3A_147] {strides = array<i32>} : memref<16x256xf32, #tpu.memory_space<vmem>>, vector<1x16xf32>,
    %get3A_149 = vector.shape_cast %get3A_148 : vector<1x16xf32> to vector<16xf32>
    %get3A_150 = arith.constant 112 : index
    %get3A_151 = tpu.vector_load %arg9[%get3A_150] {strides = array<i32>} : memref<256xf32, #tpu.memory_space<vmem>>, vector<16xf32>,
    %get3A_152 = vector.shape_cast %get3A_151 : vector<16xf32> to vector<16xf32>
    %sub3A_153 = arith.subf %get3A_149, %get3A_152 : vector<16xf32>
    %mul3A_154 = arith.mulf %sub3A_153, %sub3A_153 : vector<16xf32>
    %add3A_155 = arith.addf %add3A_144, %mul3A_154 : vector<16xf32>
    %get3A_156 = arith.constant 0 : i32
    %get3A_157 = arith.index_cast %get3A_156 : i32 to index
    %get3A_158 = arith.constant 128 : index
    %get3A_159 = tpu.vector_load %arg8[%get3A_157, %get3A_158] {strides = array<i32>} : memref<16x256xf32, #tpu.memory_space<vmem>>, vector<1x16xf32>,
    %get3A_160 = vector.shape_cast %get3A_159 : vector<1x16xf32> to vector<16xf32>
    %get3A_161 = arith.constant 128 : index
    %get3A_162 = tpu.vector_load %arg9[%get3A_161] {strides = array<i32>} : memref<256xf32, #tpu.memory_space<vmem>>, vector<16xf32>,
    %get3A_163 = vector.shape_cast %get3A_162 : vector<16xf32> to vector<16xf32>
    %sub3A_164 = arith.subf %get3A_160, %get3A_163 : vector<16xf32>
    %mul3A_165 = arith.mulf %sub3A_164, %sub3A_164 : vector<16xf32>
    %add3A_166 = arith.addf %add3A_155, %mul3A_165 : vector<16xf32>
    %get3A_167 = arith.constant 0 : i32
    %get3A_168 = arith.index_cast %get3A_167 : i32 to index
    %get3A_169 = arith.constant 144 : index
    %get3A_170 = tpu.vector_load %arg8[%get3A_168, %get3A_169] {strides = array<i32>} : memref<16x256xf32, #tpu.memory_space<vmem>>, vector<1x16xf32>,
    %get3A_171 = vector.shape_cast %get3A_170 : vector<1x16xf32> to vector<16xf32>
    %get3A_172 = arith.constant 144 : index
    %get3A_173 = tpu.vector_load %arg9[%get3A_172] {strides = array<i32>} : memref<256xf32, #tpu.memory_space<vmem>>, vector<16xf32>,
    %get3A_174 = vector.shape_cast %get3A_173 : vector<16xf32> to vector<16xf32>
    %sub3A_175 = arith.subf %get3A_171, %get3A_174 : vector<16xf32>
    %mul3A_176 = arith.mulf %sub3A_175, %sub3A_175 : vector<16xf32>
    %add3A_177 = arith.addf %add3A_166, %mul3A_176 : vector<16xf32>
    %get3A_178 = arith.constant 0 : i32
    %get3A_179 = arith.index_cast %get3A_178 : i32 to index
    %get3A_180 = arith.constant 160 : index
    %get3A_181 = tpu.vector_load %arg8[%get3A_179, %get3A_180] {strides = array<i32>} : memref<16x256xf32, #tpu.memory_space<vmem>>, vector<1x16xf32>,
    %get3A_182 = vector.shape_cast %get3A_181 : vector<1x16xf32> to vector<16xf32>
    %get3A_183 = arith.constant 160 : index
    %get3A_184 = tpu.vector_load %arg9[%get3A_183] {strides = array<i32>} : memref<256xf32, #tpu.memory_space<vmem>>, vector<16xf32>,
    %get3A_185 = vector.shape_cast %get3A_184 : vector<16xf32> to vector<16xf32>
    %sub3A_186 = arith.subf %get3A_182, %get3A_185 : vector<16xf32>
    %mul3A_187 = arith.mulf %sub3A_186, %sub3A_186 : vector<16xf32>
    %add3A_188 = arith.addf %add3A_177, %mul3A_187 : vector<16xf32>
    %get3A_189 = arith.constant 0 : i32
    %get3A_190 = arith.index_cast %get3A_189 : i32 to index
    %get3A_191 = arith.constant 176 : index
    %get3A_192 = tpu.vector_load %arg8[%get3A_190, %get3A_191] {strides = array<i32>} : memref<16x256xf32, #tpu.memory_space<vmem>>, vector<1x16xf32>,
    %get3A_193 = vector.shape_cast %get3A_192 : vector<1x16xf32> to vector<16xf32>
    %get3A_194 = arith.constant 176 : index
    %get3A_195 = tpu.vector_load %arg9[%get3A_194] {strides = array<i32>} : memref<256xf32, #tpu.memory_space<vmem>>, vector<16xf32>,
    %get3A_196 = vector.shape_cast %get3A_195 : vector<16xf32> to vector<16xf32>
    %sub3A_197 = arith.subf %get3A_193, %get3A_196 : vector<16xf32>
    %mul3A_198 = arith.mulf %sub3A_197, %sub3A_197 : vector<16xf32>
    %add3A_199 = arith.addf %add3A_188, %mul3A_198 : vector<16xf32>
    %get3A_200 = arith.constant 0 : i32
    %get3A_201 = arith.index_cast %get3A_200 : i32 to index
    %get3A_202 = arith.constant 192 : index
    %get3A_203 = tpu.vector_load %arg8[%get3A_201, %get3A_202] {strides = array<i32>} : memref<16x256xf32, #tpu.memory_space<vmem>>, vector<1x16xf32>,
    %get3A_204 = vector.shape_cast %get3A_203 : vector<1x16xf32> to vector<16xf32>
    %get3A_205 = arith.constant 192 : index
    %get3A_206 = tpu.vector_load %arg9[%get3A_205] {strides = array<i32>} : memref<256xf32, #tpu.memory_space<vmem>>, vector<16xf32>,
    %get3A_207 = vector.shape_cast %get3A_206 : vector<16xf32> to vector<16xf32>
    %sub3A_208 = arith.subf %get3A_204, %get3A_207 : vector<16xf32>
    %mul3A_209 = arith.mulf %sub3A_208, %sub3A_208 : vector<16xf32>
    %add3A_210 = arith.addf %add3A_199, %mul3A_209 : vector<16xf32>
    %get3A_211 = arith.constant 0 : i32
    %get3A_212 = arith.index_cast %get3A_211 : i32 to index
    %get3A_213 = arith.constant 208 : index
    %get3A_214 = tpu.vector_load %arg8[%get3A_212, %get3A_213] {strides = array<i32>} : memref<16x256xf32, #tpu.memory_space<vmem>>, vector<1x16xf32>,
    %get3A_215 = vector.shape_cast %get3A_214 : vector<1x16xf32> to vector<16xf32>
    %get3A_216 = arith.constant 208 : index
    %get3A_217 = tpu.vector_load %arg9[%get3A_216] {strides = array<i32>} : memref<256xf32, #tpu.memory_space<vmem>>, vector<16xf32>,
    %get3A_218 = vector.shape_cast %get3A_217 : vector<16xf32> to vector<16xf32>
    %sub3A_219 = arith.subf %get3A_215, %get3A_218 : vector<16xf32>
    %mul3A_220 = arith.mulf %sub3A_219, %sub3A_219 : vector<16xf32>
    %add3A_221 = arith.addf %add3A_210, %mul3A_220 : vector<16xf32>
    %get3A_222 = arith.constant 0 : i32
    %get3A_223 = arith.index_cast %get3A_222 : i32 to index
    %get3A_224 = arith.constant 224 : index
    %get3A_225 = tpu.vector_load %arg8[%get3A_223, %get3A_224] {strides = array<i32>} : memref<16x256xf32, #tpu.memory_space<vmem>>, vector<1x16xf32>,
    %get3A_226 = vector.shape_cast %get3A_225 : vector<1x16xf32> to vector<16xf32>
    %get3A_227 = arith.constant 224 : index
    %get3A_228 = tpu.vector_load %arg9[%get3A_227] {strides = array<i32>} : memref<256xf32, #tpu.memory_space<vmem>>, vector<16xf32>,
    %get3A_229 = vector.shape_cast %get3A_228 : vector<16xf32> to vector<16xf32>
    %sub3A_230 = arith.subf %get3A_226, %get3A_229 : vector<16xf32>
    %mul3A_231 = arith.mulf %sub3A_230, %sub3A_230 : vector<16xf32>
    %add3A_232 = arith.addf %add3A_221, %mul3A_231 : vector<16xf32>
    %get3A_233 = arith.constant 0 : i32
    %get3A_234 = arith.index_cast %get3A_233 : i32 to index
    %get3A_235 = arith.constant 240 : index
    %get3A_236 = tpu.vector_load %arg8[%get3A_234, %get3A_235] {strides = array<i32>} : memref<16x256xf32, #tpu.memory_space<vmem>>, vector<1x16xf32>,
    %get3A_237 = vector.shape_cast %get3A_236 : vector<1x16xf32> to vector<16xf32>
    %get3A_238 = arith.constant 240 : index
    %get3A_239 = tpu.vector_load %arg9[%get3A_238] {strides = array<i32>} : memref<256xf32, #tpu.memory_space<vmem>>, vector<16xf32>,
    %get3A_240 = vector.shape_cast %get3A_239 : vector<16xf32> to vector<16xf32>
    %sub3A_241 = arith.subf %get3A_237, %get3A_240 : vector<16xf32>
    %mul3A_242 = arith.mulf %sub3A_241, %sub3A_241 : vector<16xf32>
    %add3A_243 = arith.addf %add3A_232, %mul3A_242 : vector<16xf32>
    %iota3A_244 = tpu.iota {dimensions = array<i32: 0>} : vector<16xi32>
    %xor3A_245 = arith.constant 1 : i32
    %xor3A_246 = vector.broadcast %xor3A_245 : i32 to vector<16xi32>
    %xor3A_247 = arith.xori %iota3A_244, %xor3A_246 : vector<16xi32>
    %reshape3A_248 = vector.shape_cast %xor3A_247 : vector<16xi32> to vector<16x1xi32>
    %gather3A_249 = vector.shape_cast %reshape3A_248 : vector<16x1xi32> to vector<16xi32>
    %gather3A_250 = tpu.dynamic_gather %add3A_243[%gather3A_249] in [0] : vector<16xf32>, vector<16xi32> -> vector<16xf32>
    %add3A_251 = arith.addf %add3A_243, %gather3A_250 : vector<16xf32>
    %xor3A_252 = arith.constant 2 : i32
    %xor3A_253 = vector.broadcast %xor3A_252 : i32 to vector<16xi32>
    %xor3A_254 = arith.xori %iota3A_244, %xor3A_253 : vector<16xi32>
    %reshape3A_255 = vector.shape_cast %xor3A_254 : vector<16xi32> to vector<16x1xi32>
    %gather3A_256 = vector.shape_cast %reshape3A_255 : vector<16x1xi32> to vector<16xi32>
    %gather3A_257 = tpu.dynamic_gather %add3A_251[%gather3A_256] in [0] : vector<16xf32>, vector<16xi32> -> vector<16xf32>
    %add3A_258 = arith.addf %add3A_251, %gather3A_257 : vector<16xf32>
    %xor3A_259 = arith.constant 4 : i32
    %xor3A_260 = vector.broadcast %xor3A_259 : i32 to vector<16xi32>
    %xor3A_261 = arith.xori %iota3A_244, %xor3A_260 : vector<16xi32>
    %reshape3A_262 = vector.shape_cast %xor3A_261 : vector<16xi32> to vector<16x1xi32>
    %gather3A_263 = vector.shape_cast %reshape3A_262 : vector<16x1xi32> to vector<16xi32>
    %gather3A_264 = tpu.dynamic_gather %add3A_258[%gather3A_263] in [0] : vector<16xf32>, vector<16xi32> -> vector<16xf32>
    %add3A_265 = arith.addf %add3A_258, %gather3A_264 : vector<16xf32>
    %xor3A_266 = arith.constant 8 : i32
    %xor3A_267 = vector.broadcast %xor3A_266 : i32 to vector<16xi32>
    %xor3A_268 = arith.xori %iota3A_244, %xor3A_267 : vector<16xi32>
    %reshape3A_269 = vector.shape_cast %xor3A_268 : vector<16xi32> to vector<16x1xi32>
    %gather3A_270 = vector.shape_cast %reshape3A_269 : vector<16x1xi32> to vector<16xi32>
    %gather3A_271 = tpu.dynamic_gather %add3A_265[%gather3A_270] in [0] : vector<16xf32>, vector<16xi32> -> vector<16xf32>
    %add3A_272 = arith.addf %add3A_265, %gather3A_271 : vector<16xf32>
    %run_scoped3A = arith.constant 0 : i32
    %run_scoped3A_273 = arith.constant 0 : i32
    "tpu.region"() ({
      %run_scoped3A_277 = tpu.sem_alloc : memref<!tpu.dma_semaphore, #tpu.memory_space<semaphore_mem>>
      %dma_start3A_278 = arith.constant 0 : i32
      %dma_start3A_279 = tpu.memref_slice %arg8[%run_scoped3A, %dma_start3A_278] : memref<16x256xf32, #tpu.memory_space<vmem>> -> memref<1x256xf32, #tpu.memory_space<vmem>>
      %dma_start3A_280 = tpu.memref_squeeze %dma_start3A_279 : memref<1x256xf32, #tpu.memory_space<vmem>> -> memref<256xf32, #tpu.memory_space<vmem>>
      %dma_start3A_281 = arith.constant 0 : i32
      %dma_start3A_282 = tpu.memref_slice %arg5[%add3A, %run_scoped3A_273, %dma_start3A_281] : memref<32x1x256xf32, #tpu.memory_space<hbm>> -> memref<1x1x256xf32, #tpu.memory_space<hbm>>
      %dma_start3A_283 = tpu.memref_squeeze %dma_start3A_282 : memref<1x1x256xf32, #tpu.memory_space<hbm>> -> memref<256xf32, #tpu.memory_space<hbm>>
      %dma_start3A_284 = arith.constant 0 : i32
      %dma_start3A_285 = tpu.memref_slice %arg5[%add3A, %run_scoped3A_273, %dma_start3A_284] : memref<32x1x256xf32, #tpu.memory_space<hbm>> -> memref<1x1x256xf32, #tpu.memory_space<hbm>>
      %dma_start3A_286 = tpu.memref_squeeze %dma_start3A_285 : memref<1x1x256xf32, #tpu.memory_space<hbm>> -> memref<256xf32, #tpu.memory_space<hbm>>
      %dma_start3A_287 = arith.constant 0 : i32
      %dma_start3A_288 = tpu.memref_slice %arg8[%run_scoped3A, %dma_start3A_287] : memref<16x256xf32, #tpu.memory_space<vmem>> -> memref<1x256xf32, #tpu.memory_space<vmem>>
      %dma_start3A_289 = tpu.memref_squeeze %dma_start3A_288 : memref<1x256xf32, #tpu.memory_space<vmem>> -> memref<256xf32, #tpu.memory_space<vmem>>
      tpu.enqueue_dma source(%dma_start3A_289 : memref<256xf32, #tpu.memory_space<vmem>>) target(%dma_start3A_286 : memref<256xf32, #tpu.memory_space<hbm>>) target_semaphore(%run_scoped3A_277 : memref<!tpu.dma_semaphore, #tpu.memory_space<semaphore_mem>>)
      %dma_wait3A_290 = arith.constant 0 : i32
      %dma_wait3A_291 = tpu.memref_slice %arg8[%run_scoped3A, %dma_wait3A_290] : memref<16x256xf32, #tpu.memory_space<vmem>> -> memref<1x256xf32, #tpu.memory_space<vmem>>
      %dma_wait3A_292 = tpu.memref_squeeze %dma_wait3A_291 : memref<1x256xf32, #tpu.memory_space<vmem>> -> memref<256xf32, #tpu.memory_space<vmem>>
      %dma_wait3A_293 = arith.constant 0 : i32
      %dma_wait3A_294 = tpu.memref_slice %arg5[%add3A, %run_scoped3A_273, %dma_wait3A_293] : memref<32x1x256xf32, #tpu.memory_space<hbm>> -> memref<1x1x256xf32, #tpu.memory_space<hbm>>
      %dma_wait3A_295 = tpu.memref_squeeze %dma_wait3A_294 : memref<1x1x256xf32, #tpu.memory_space<hbm>> -> memref<256xf32, #tpu.memory_space<hbm>>
      %dma_wait3A_296 = arith.constant 0 : i32
      %dma_wait3A_297 = tpu.memref_slice %arg5[%add3A, %run_scoped3A_273, %dma_wait3A_296] : memref<32x1x256xf32, #tpu.memory_space<hbm>> -> memref<1x1x256xf32, #tpu.memory_space<hbm>>
      %dma_wait3A_298 = tpu.memref_squeeze %dma_wait3A_297 : memref<1x1x256xf32, #tpu.memory_space<hbm>> -> memref<256xf32, #tpu.memory_space<hbm>>
      %dma_wait3A_299 = arith.constant 0 : i32
      %dma_wait3A_300 = tpu.memref_slice %arg8[%run_scoped3A, %dma_wait3A_299] : memref<16x256xf32, #tpu.memory_space<vmem>> -> memref<1x256xf32, #tpu.memory_space<vmem>>
      %dma_wait3A_301 = tpu.memref_squeeze %dma_wait3A_300 : memref<1x256xf32, #tpu.memory_space<vmem>> -> memref<256xf32, #tpu.memory_space<vmem>>
      tpu.wait_dma2 semaphore(%run_scoped3A_277 : memref<!tpu.dma_semaphore, #tpu.memory_space<semaphore_mem>>) src(%dma_wait3A_301 : memref<256xf32, #tpu.memory_space<vmem>>) dst(%dma_wait3A_298 : memref<256xf32, #tpu.memory_space<hbm>>)
      tpu.yield
    }) : () -> ()
    %swap3A = arith.constant 0 : index
    %swap3A_274 = tpu.vector_load %arg10[%swap3A] {strides = array<i32>} : memref<16xf32, #tpu.memory_space<vmem>>, vector<16xf32>,
    %swap3A_275 = vector.shape_cast %swap3A_274 : vector<16xf32> to vector<16xf32>
    %swap3A_276 = vector.shape_cast %add3A_272 : vector<16xf32> to vector<16xf32>
    tpu.vector_store %arg10[%swap3A], %swap3A_276 {strides = array<i32>} : memref<16xf32, #tpu.memory_space<vmem>>, vector<16xf32>,
    "tpu.region"() ({
      %run_scoped3A_277 = tpu.sem_alloc : memref<!tpu.dma_semaphore, #tpu.memory_space<semaphore_mem>>
      %dma_start3A_278 = arith.constant 0 : i32
      %dma_start3A_279 = tpu.memref_slice %arg6[%add3A, %dma_start3A_278] : memref<32x16xf32, #tpu.memory_space<hbm>> -> memref<1x16xf32, #tpu.memory_space<hbm>>
      %dma_start3A_280 = tpu.memref_squeeze %dma_start3A_279 : memref<1x16xf32, #tpu.memory_space<hbm>> -> memref<16xf32, #tpu.memory_space<hbm>>
      %dma_start3A_281 = arith.constant 0 : i32
      %dma_start3A_282 = tpu.memref_slice %arg6[%add3A, %dma_start3A_281] : memref<32x16xf32, #tpu.memory_space<hbm>> -> memref<1x16xf32, #tpu.memory_space<hbm>>
      %dma_start3A_283 = tpu.memref_squeeze %dma_start3A_282 : memref<1x16xf32, #tpu.memory_space<hbm>> -> memref<16xf32, #tpu.memory_space<hbm>>
      tpu.enqueue_dma source(%arg10 : memref<16xf32, #tpu.memory_space<vmem>>) target(%dma_start3A_283 : memref<16xf32, #tpu.memory_space<hbm>>) target_semaphore(%run_scoped3A_277 : memref<!tpu.dma_semaphore, #tpu.memory_space<semaphore_mem>>)
      %dma_wait3A_284 = arith.constant 0 : i32
      %dma_wait3A_285 = tpu.memref_slice %arg6[%add3A, %dma_wait3A_284] : memref<32x16xf32, #tpu.memory_space<hbm>> -> memref<1x16xf32, #tpu.memory_space<hbm>>
      %dma_wait3A_286 = tpu.memref_squeeze %dma_wait3A_285 : memref<1x16xf32, #tpu.memory_space<hbm>> -> memref<16xf32, #tpu.memory_space<hbm>>
      %dma_wait3A_287 = arith.constant 0 : i32
      %dma_wait3A_288 = tpu.memref_slice %arg6[%add3A, %dma_wait3A_287] : memref<32x16xf32, #tpu.memory_space<hbm>> -> memref<1x16xf32, #tpu.memory_space<hbm>>
      %dma_wait3A_289 = tpu.memref_squeeze %dma_wait3A_288 : memref<1x16xf32, #tpu.memory_space<hbm>> -> memref<16xf32, #tpu.memory_space<hbm>>
      tpu.wait_dma2 semaphore(%run_scoped3A_277 : memref<!tpu.dma_semaphore, #tpu.memory_space<semaphore_mem>>) src(%arg10 : memref<16xf32, #tpu.memory_space<vmem>>) dst(%dma_wait3A_289 : memref<16xf32, #tpu.memory_space<hbm>>)
      tpu.yield
    }) : () -> ()
    return
  }
}

module attributes {stable_mosaic.version = 14 : i64} {
  func.func @_attn_vq_body(%arg0: i32, %arg1: memref<1x512x1024xf32, #tpu.memory_space<vmem>>, %arg2: memref<1x512x1024xf32, #tpu.memory_space<vmem>>, %arg3: memref<1x512x1024xf32, #tpu.memory_space<vmem>>, %arg4: memref<1x512x1024xf32, #tpu.memory_space<vmem>>, %arg5: memref<32xi32, #tpu.memory_space<smem>>, %arg6: memref<32x1024xf32, #tpu.memory_space<vmem>>, %arg7: memref<1024x1024xf32, #tpu.memory_space<vmem>>, %arg8: memref<2048x256xf32, #tpu.memory_space<vmem>>, %arg9: memref<8192x256xf32, #tpu.memory_space<vmem>>, %arg10: memref<32x8192xf32, #tpu.memory_space<vmem>>, %arg11: memref<32x256xf32, #tpu.memory_space<vmem>>, %arg12: memref<32x1024xf32, #tpu.memory_space<vmem>>, %arg13: memref<1x8192xf32, #tpu.memory_space<vmem>>, %arg14: memref<32x16xf32, #tpu.memory_space<vmem>>) attributes {dimension_semantics = [#tpu.dimension_semantics<arbitrary>], iteration_bounds = array<i64: 32>, scalar_prefetch = 0 : i64, scratch_operands = 3 : i64, tpu.core_type = #tpu.core_type<tc>, window_params = [{transform_indices = @transform_0, window_bounds = array<i64: 1, 512, 1024>}, {transform_indices = @transform_1, window_bounds = array<i64: 1, 512, 1024>}, {transform_indices = @transform_2, window_bounds = array<i64: 1, 512, 1024>}, {transform_indices = @transform_3, window_bounds = array<i64: 1, 512, 1024>}, {transform_indices = @transform_4, window_bounds = array<i64: 32>}, {pipeline_mode = #tpu.pipeline_mode<synchronous>, transform_indices = @transform_5, window_bounds = array<i64: 32, 1024>}, {pipeline_mode = #tpu.pipeline_mode<synchronous>, transform_indices = @transform_6, window_bounds = array<i64: 1024, 1024>}, {pipeline_mode = #tpu.pipeline_mode<synchronous>, transform_indices = @transform_7, window_bounds = array<i64: 2048, 256>}, {pipeline_mode = #tpu.pipeline_mode<synchronous>, transform_indices = @transform_8, window_bounds = array<i64: 8192, 256>}, {pipeline_mode = #tpu.pipeline_mode<synchronous>, transform_indices = @transform_9, window_bounds = array<i64: 32, 8192>}, {pipeline_mode = #tpu.pipeline_mode<synchronous>, transform_indices = @transform_10, window_bounds = array<i64: 32, 256>}]} {
    %eq3A = arith.constant 0 : i32
    %eq3A_0 = arith.cmpi eq, %arg0, %eq3A : i32
    %convert_element_type3A = arith.extui %eq3A_0 : i1 to i32
    %cond3A = arith.constant 0 : i32
    %cond3A_1 = arith.cmpi ne, %convert_element_type3A, %cond3A : i32
    scf.if %cond3A_1 {
      %get3A_64 = arith.constant 0 : index
      %get3A_65 = arith.constant 0 : index
      %get3A_66 = vector.load %arg9[%get3A_64, %get3A_65] : memref<8192x256xf32, #tpu.memory_space<vmem>>, vector<8192x256xf32>
      %mul3A = arith.mulf %get3A_66, %get3A_66 : vector<8192x256xf32>
      %reduce_sum3A_67 = arith.constant dense<0.000000e+00> : vector<8192xf32>
      %reduce_sum3A_68 = vector.multi_reduction <add>, %mul3A, %reduce_sum3A_67 [1] : vector<8192x256xf32> to vector<8192xf32>
      %reshape3A = vector.shape_cast %reduce_sum3A_68 : vector<8192xf32> to vector<1x8192xf32>
      %swap3A_69 = arith.constant 0 : index
      %swap3A_70 = arith.constant 0 : index
      %swap3A_71 = vector.load %arg13[%swap3A_69, %swap3A_70] : memref<1x8192xf32, #tpu.memory_space<vmem>>, vector<1x8192xf32>
      tpu.vector_store %arg13[%swap3A_69, %swap3A_70], %reshape3A {strides = array<i32>} : memref<1x8192xf32, #tpu.memory_space<vmem>>, vector<1x8192xf32>,
      %get3A_72 = arith.constant 0 : index
      %get3A_73 = arith.constant 0 : index
      %get3A_74 = vector.load %arg6[%get3A_72, %get3A_73] : memref<32x1024xf32, #tpu.memory_space<vmem>>, vector<32x1024xf32>
      %get3A_75 = arith.constant 0 : index
      %get3A_76 = arith.constant 0 : index
      %get3A_77 = vector.load %arg7[%get3A_75, %get3A_76] : memref<1024x1024xf32, #tpu.memory_space<vmem>>, vector<1024x1024xf32>
      %convert_element_type3A_78 = arith.truncf %get3A_74 : vector<32x1024xf32> to vector<32x1024xbf16>
      %convert_element_type3A_79 = arith.truncf %get3A_77 : vector<1024x1024xf32> to vector<1024x1024xbf16>
      %dot_general3A_80 = arith.constant dense<0.000000e+00> : vector<32x1024xf32>
      %dot_general3A_81 = tpu.matmul %convert_element_type3A_78, %convert_element_type3A_79, %dot_general3A_80 {dimension_numbers = #tpu.dot_dimension_numbers<[1], [1], [0], [0], [0, 0, 1, 0], [], []>, transpose_lhs_hint = false} : vector<32x1024xbf16>, vector<1024x1024xbf16>, vector<32x1024xf32> -> vector<32x1024xf32>
      %swap3A_82 = arith.constant 0 : index
      %swap3A_83 = arith.constant 0 : index
      %swap3A_84 = vector.load %arg12[%swap3A_82, %swap3A_83] : memref<32x1024xf32, #tpu.memory_space<vmem>>, vector<32x1024xf32>
      tpu.vector_store %arg12[%swap3A_82, %swap3A_83], %dot_general3A_81 {strides = array<i32>} : memref<32x1024xf32, #tpu.memory_space<vmem>>, vector<32x1024xf32>,
      %broadcast_in_dim3A_85 = arith.constant 3.400000e+38 : f32
      %broadcast_in_dim3A_86 = vector.broadcast %broadcast_in_dim3A_85 : f32 to vector<32x8192xf32>
      %swap3A_87 = arith.constant 0 : index
      %swap3A_88 = arith.constant 0 : index
      %swap3A_89 = vector.load %arg10[%swap3A_87, %swap3A_88] : memref<32x8192xf32, #tpu.memory_space<vmem>>, vector<32x8192xf32>
      tpu.vector_store %arg10[%swap3A_87, %swap3A_88], %broadcast_in_dim3A_86 {strides = array<i32>} : memref<32x8192xf32, #tpu.memory_space<vmem>>, vector<32x8192xf32>,
    } else {
    }
    %get3A = arith.constant 0 : index
    %get3A_2 = arith.constant 0 : index
    %get3A_3 = arith.constant 0 : index
    %get3A_4 = vector.load %arg1[%get3A, %get3A_2, %get3A_3] : memref<1x512x1024xf32, #tpu.memory_space<vmem>>, vector<1x512x1024xf32>
    %get3A_5 = vector.shape_cast %get3A_4 : vector<1x512x1024xf32> to vector<512x1024xf32>
    %convert_element_type3A_6 = arith.truncf %get3A_5 : vector<512x1024xf32> to vector<512x1024xbf16>
    %get3A_7 = arith.constant 0 : index
    %get3A_8 = arith.constant 0 : index
    %get3A_9 = arith.constant 0 : index
    %get3A_10 = vector.load %arg2[%get3A_7, %get3A_8, %get3A_9] : memref<1x512x1024xf32, #tpu.memory_space<vmem>>, vector<1x512x1024xf32>
    %get3A_11 = vector.shape_cast %get3A_10 : vector<1x512x1024xf32> to vector<512x1024xf32>
    %convert_element_type3A_12 = arith.truncf %get3A_11 : vector<512x1024xf32> to vector<512x1024xbf16>
    %get3A_13 = arith.constant 0 : index
    %get3A_14 = arith.constant 0 : index
    %get3A_15 = arith.constant 0 : index
    %get3A_16 = vector.load %arg3[%get3A_13, %get3A_14, %get3A_15] : memref<1x512x1024xf32, #tpu.memory_space<vmem>>, vector<1x512x1024xf32>
    %get3A_17 = vector.shape_cast %get3A_16 : vector<1x512x1024xf32> to vector<512x1024xf32>
    %convert_element_type3A_18 = arith.truncf %get3A_17 : vector<512x1024xf32> to vector<512x1024xbf16>
    %get3A_19 = arith.constant 0 : index
    %get3A_20 = arith.constant 0 : index
    %get3A_21 = arith.constant 0 : index
    %get3A_22 = vector.load %arg4[%get3A_19, %get3A_20, %get3A_21] : memref<1x512x1024xf32, #tpu.memory_space<vmem>>, vector<1x512x1024xf32>
    %get3A_23 = vector.shape_cast %get3A_22 : vector<1x512x1024xf32> to vector<512x1024xf32>
    %convert_element_type3A_24 = arith.truncf %get3A_23 : vector<512x1024xf32> to vector<512x1024xbf16>
    %concatenate3A = tpu.concatenate %convert_element_type3A_6, %convert_element_type3A_12, %convert_element_type3A_18, %convert_element_type3A_24 in 0 : vector<512x1024xbf16>, vector<512x1024xbf16>, vector<512x1024xbf16>, vector<512x1024xbf16> -> vector<2048x1024xbf16>
    %get3A_25 = arith.index_cast %arg0 : i32 to index
    %get3A_26 = arith.constant 0 : index
    %get3A_27 = vector.load %arg12[%get3A_25, %get3A_26] : memref<32x1024xf32, #tpu.memory_space<vmem>>, vector<1x1024xf32>
    %convert_element_type3A_28 = arith.truncf %get3A_27 : vector<1x1024xf32> to vector<1x1024xbf16>
    %dot_general3A = arith.constant dense<0.000000e+00> : vector<1x2048xf32>
    %dot_general3A_29 = tpu.matmul %convert_element_type3A_28, %concatenate3A, %dot_general3A {dimension_numbers = #tpu.dot_dimension_numbers<[1], [1], [0], [0], [0, 0, 1, 0], [], []>, transpose_lhs_hint = false} : vector<1x1024xbf16>, vector<2048x1024xbf16>, vector<1x2048xf32> -> vector<1x2048xf32>
    %iota3A = tpu.iota {dimensions = array<i32: 1>} : vector<1x2048xi32>
    %get3A_30 = arith.index_cast %arg0 : i32 to index
    %get3A_31 = memref.load %arg5[%get3A_30] : memref<32xi32, #tpu.memory_space<smem>>
    %lt3A = vector.broadcast %get3A_31 : i32 to vector<1x2048xi32>
    %lt3A_32 = arith.cmpi slt, %iota3A, %lt3A : vector<1x2048xi32>
    %jit3A = arith.constant -1.000000e+09 : f32
    %broadcast_in_dim3A = vector.broadcast %jit3A : f32 to vector<1x2048xf32>
    %select_n3A = arith.select %lt3A_32, %dot_general3A_29, %broadcast_in_dim3A : vector<1x2048xi1>, vector<1x2048xf32>
    %reduce_max3A = vector.shape_cast %select_n3A : vector<1x2048xf32> to vector<1x1x2048xf32>
    %reduce_max3A_33 = arith.constant dense<0xFF800000> : vector<1xf32>
    %reduce_max3A_34 = vector.multi_reduction <maximumf>, %reduce_max3A, %reduce_max3A_33 [1, 2] : vector<1x1x2048xf32> to vector<1xf32>
    %reduce_max3A_35 = vector.shape_cast %reduce_max3A_34 : vector<1xf32> to vector<1x1x1xf32>
    %reduce_max3A_36 = vector.extract %reduce_max3A_35[0, 0, 0] : f32 from vector<1x1x1xf32>
    %sub3A = vector.broadcast %reduce_max3A_36 : f32 to vector<1x2048xf32>
    %sub3A_37 = arith.subf %select_n3A, %sub3A : vector<1x2048xf32>
    %exp3A = math.exp %sub3A_37 : vector<1x2048xf32>
    %reduce_sum3A = vector.shape_cast %exp3A : vector<1x2048xf32> to vector<1x1x2048xf32>
    %reduce_sum3A_38 = arith.constant dense<0.000000e+00> : vector<1xf32>
    %reduce_sum3A_39 = vector.multi_reduction <add>, %reduce_sum3A, %reduce_sum3A_38 [1, 2] : vector<1x1x2048xf32> to vector<1xf32>
    %reduce_sum3A_40 = vector.shape_cast %reduce_sum3A_39 : vector<1xf32> to vector<1x1x1xf32>
    %reduce_sum3A_41 = vector.extract %reduce_sum3A_40[0, 0, 0] : f32 from vector<1x1x1xf32>
    %div3A = vector.broadcast %reduce_sum3A_41 : f32 to vector<1x2048xf32>
    %div3A_42 = arith.divf %exp3A, %div3A : vector<1x2048xf32>
    %convert_element_type3A_43 = arith.truncf %div3A_42 : vector<1x2048xf32> to vector<1x2048xbf16>
    %dot_general3A_44 = arith.constant dense<0.000000e+00> : vector<1x1024xf32>
    %dot_general3A_45 = tpu.matmul %convert_element_type3A_43, %concatenate3A, %dot_general3A_44 {dimension_numbers = #tpu.dot_dimension_numbers<[1], [0], [0], [1], [0, 0, 1, 1], [], []>, transpose_lhs_hint = false} : vector<1x2048xbf16>, vector<2048x1024xbf16>, vector<1x1024xf32> -> vector<1x1024xf32>
    %get3A_46 = arith.index_cast %arg0 : i32 to index
    %get3A_47 = arith.constant 0 : index
    %get3A_48 = vector.load %arg6[%get3A_46, %get3A_47] : memref<32x1024xf32, #tpu.memory_space<vmem>>, vector<1x1024xf32>
    %concatenate3A_49 = tpu.concatenate %dot_general3A_45, %get3A_48 in 1 : vector<1x1024xf32>, vector<1x1024xf32> -> vector<1x2048xf32>
    %get3A_50 = arith.constant 0 : index
    %get3A_51 = arith.constant 0 : index
    %get3A_52 = vector.load %arg8[%get3A_50, %get3A_51] : memref<2048x256xf32, #tpu.memory_space<vmem>>, vector<2048x256xf32>
    %convert_element_type3A_53 = arith.truncf %concatenate3A_49 : vector<1x2048xf32> to vector<1x2048xbf16>
    %convert_element_type3A_54 = arith.truncf %get3A_52 : vector<2048x256xf32> to vector<2048x256xbf16>
    %dot_general3A_55 = arith.constant dense<0.000000e+00> : vector<1x256xf32>
    %dot_general3A_56 = tpu.matmul %convert_element_type3A_53, %convert_element_type3A_54, %dot_general3A_55 {dimension_numbers = #tpu.dot_dimension_numbers<[1], [0], [0], [1], [0, 0, 1, 1], [], []>, transpose_lhs_hint = false} : vector<1x2048xbf16>, vector<2048x256xbf16>, vector<1x256xf32> -> vector<1x256xf32>
    %tanh3A = math.tanh %dot_general3A_56 : vector<1x256xf32>
    %swap3A = arith.index_cast %arg0 : i32 to index
    %swap3A_57 = arith.constant 0 : index
    %swap3A_58 = vector.load %arg11[%swap3A, %swap3A_57] : memref<32x256xf32, #tpu.memory_space<vmem>>, vector<1x256xf32>
    tpu.vector_store %arg11[%swap3A, %swap3A_57], %tanh3A {strides = array<i32>} : memref<32x256xf32, #tpu.memory_space<vmem>>, vector<1x256xf32>,
    %eq3A_59 = arith.constant 31 : i32
    %eq3A_60 = arith.cmpi eq, %arg0, %eq3A_59 : i32
    %convert_element_type3A_61 = arith.extui %eq3A_60 : i1 to i32
    %cond3A_62 = arith.constant 0 : i32
    %cond3A_63 = arith.cmpi ne, %convert_element_type3A_61, %cond3A_62 : i32
    scf.if %cond3A_63 {
      %get3A_64 = arith.constant 0 : index
      %get3A_65 = arith.constant 0 : index
      %get3A_66 = vector.load %arg11[%get3A_64, %get3A_65] : memref<32x256xf32, #tpu.memory_space<vmem>>, vector<32x256xf32>
      %get3A_67 = arith.constant 0 : index
      %get3A_68 = arith.constant 0 : index
      %get3A_69 = vector.load %arg9[%get3A_67, %get3A_68] : memref<8192x256xf32, #tpu.memory_space<vmem>>, vector<8192x256xf32>
      %dot_general3A_70 = arith.constant dense<0.000000e+00> : vector<32x8192xf32>
      %dot_general3A_71 = tpu.matmul %get3A_66, %get3A_69, %dot_general3A_70 {dimension_numbers = #tpu.dot_dimension_numbers<[1], [1], [0], [0], [0, 0, 1, 0], [], []>, precision = #tpu.contract_precision<fp32>, transpose_lhs_hint = false} : vector<32x256xf32>, vector<8192x256xf32>, vector<32x8192xf32> -> vector<32x8192xf32>
      %get3A_72 = arith.constant 0 : index
      %get3A_73 = arith.constant 0 : index
      %get3A_74 = vector.load %arg13[%get3A_72, %get3A_73] : memref<1x8192xf32, #tpu.memory_space<vmem>>, vector<1x8192xf32>
      %mul3A = arith.constant 2.000000e+00 : f32
      %mul3A_75 = vector.broadcast %mul3A : f32 to vector<32x8192xf32>
      %mul3A_76 = arith.mulf %mul3A_75, %dot_general3A_71 : vector<32x8192xf32>
      %sub3A_77 = vector.broadcast %get3A_74 : vector<1x8192xf32> to vector<32x8192xf32>
      %sub3A_78 = arith.subf %sub3A_77, %mul3A_76 : vector<32x8192xf32>
      %reshape3A = vector.shape_cast %sub3A_78 : vector<32x8192xf32> to vector<32x16x512xf32>
      %reduce_min3A = arith.constant dense<0x7F800000> : vector<32x16xf32>
      %reduce_min3A_79 = vector.multi_reduction <minimumf>, %reshape3A, %reduce_min3A [2] : vector<32x16x512xf32> to vector<32x16xf32>
      %swap3A_80 = arith.constant 0 : index
      %swap3A_81 = arith.constant 0 : index
      %swap3A_82 = vector.load %arg14[%swap3A_80, %swap3A_81] : memref<32x16xf32, #tpu.memory_space<vmem>>, vector<32x16xf32>
      tpu.vector_store %arg14[%swap3A_80, %swap3A_81], %reduce_min3A_79 {strides = array<i32>} : memref<32x16xf32, #tpu.memory_space<vmem>>, vector<32x16xf32>,
      %scan3A = arith.constant 0 : i32
      %scan3A_83 = arith.constant 32 : i32
      %scan3A_84 = arith.addi %scan3A, %scan3A_83 : i32
      %scan3A_85 = arith.constant 1 : i32
      scf.for %scan3A_87 = %scan3A to %scan3A_84 step %scan3A_85  : i32 {
        %get3A_88 = arith.index_cast %scan3A_87 : i32 to index
        %get3A_89 = arith.constant 0 : index
        %get3A_90 = vector.load %arg14[%get3A_88, %get3A_89] : memref<32x16xf32, #tpu.memory_space<vmem>>, vector<1x16xf32>
        %reduce_min3A_91 = vector.shape_cast %get3A_90 : vector<1x16xf32> to vector<1x1x16xf32>
        %reduce_min3A_92 = arith.constant dense<0x7F800000> : vector<1xf32>
        %reduce_min3A_93 = vector.multi_reduction <minimumf>, %reduce_min3A_91, %reduce_min3A_92 [1, 2] : vector<1x1x16xf32> to vector<1xf32>
        %reduce_min3A_94 = vector.shape_cast %reduce_min3A_93 : vector<1xf32> to vector<1x1x1xf32>
        %reduce_min3A_95 = vector.extract %reduce_min3A_94[0, 0, 0] : f32 from vector<1x1x1xf32>
        %reshape3A_96 = vector.shape_cast %get3A_90 : vector<1x16xf32> to vector<16xf32>
        %argmin3A = vector.shape_cast %reshape3A_96 : vector<16xf32> to vector<1x16xf32>
        %argmin3A_97 = tpu.reduce_index %argmin3A {axis = 1 : i32, kind = #tpu.reduction_kind<arg_min>} : vector<1x16xf32> -> vector<1xi32>
        %argmin3A_98 = vector.extract %argmin3A_97[0] : i32 from vector<1xi32>
        %add3A = arith.constant 5.000000e-02 : f32
        %add3A_99 = arith.addf %reduce_min3A_95, %add3A : f32
        %lt3A_100 = vector.broadcast %add3A_99 : f32 to vector<1x16xf32>
        %lt3A_101 = arith.cmpf olt, %get3A_90, %lt3A_100 : vector<1x16xf32>
        %convert_element_type3A_102 = arith.extui %lt3A_101 : vector<1x16xi1> to vector<1x16xi32>
        %reduce_sum3A_103 = vector.shape_cast %convert_element_type3A_102 : vector<1x16xi32> to vector<1x1x16xi32>
        %reduce_sum3A_104 = arith.constant dense<0> : vector<1xi32>
        %reduce_sum3A_105 = vector.multi_reduction <add>, %reduce_sum3A_103, %reduce_sum3A_104 [1, 2] : vector<1x1x16xi32> to vector<1xi32>
        %reduce_sum3A_106 = vector.shape_cast %reduce_sum3A_105 : vector<1xi32> to vector<1x1x1xi32>
        %reduce_sum3A_107 = vector.extract %reduce_sum3A_106[0, 0, 0] : i32 from vector<1x1x1xi32>
        %get3A_108 = arith.index_cast %scan3A_87 : i32 to index
        %get3A_109 = arith.constant 0 : index
        %get3A_110 = vector.load %arg11[%get3A_108, %get3A_109] : memref<32x256xf32, #tpu.memory_space<vmem>>, vector<1x256xf32>
        %eq3A_111 = arith.constant 1 : i32
        %eq3A_112 = arith.cmpi eq, %reduce_sum3A_107, %eq3A_111 : i32
        %convert_element_type3A_113 = arith.extui %eq3A_112 : i1 to i32
        %cond3A_114 = arith.constant 0 : i32
        %cond3A_115 = arith.cmpi ne, %convert_element_type3A_113, %cond3A_114 : i32
        scf.if %cond3A_115 {
          %mul3A_120 = arith.constant 512 : i32
          %mul3A_121 = arith.muli %argmin3A_98, %mul3A_120 : i32
          %get3A_122 = arith.index_cast %mul3A_121 : i32 to index
          %get3A_123 = arith.constant 0 : index
          %get3A_124 = vector.load %arg9[%get3A_122, %get3A_123] : memref<8192x256xf32, #tpu.memory_space<vmem>>, vector<512x256xf32>
          %sub3A_125 = vector.broadcast %get3A_110 : vector<1x256xf32> to vector<512x256xf32>
          %sub3A_126 = arith.subf %sub3A_125, %get3A_124 : vector<512x256xf32>
          %mul3A_127 = arith.mulf %sub3A_126, %sub3A_126 : vector<512x256xf32>
          %reduce_sum3A_128 = arith.constant dense<0.000000e+00> : vector<512xf32>
          %reduce_sum3A_129 = vector.multi_reduction <add>, %mul3A_127, %reduce_sum3A_128 [1] : vector<512x256xf32> to vector<512xf32>
          %reshape3A_130 = vector.shape_cast %reduce_sum3A_129 : vector<512xf32> to vector<1x512xf32>
          %mul3A_131 = arith.constant 512 : i32
          %mul3A_132 = arith.muli %argmin3A_98, %mul3A_131 : i32
          %swap3A_133 = arith.index_cast %scan3A_87 : i32 to index
          %swap3A_134 = arith.index_cast %mul3A_132 : i32 to index
          %swap3A_135 = vector.load %arg10[%swap3A_133, %swap3A_134] : memref<32x8192xf32, #tpu.memory_space<vmem>>, vector<1x512xf32>
          tpu.vector_store %arg10[%swap3A_133, %swap3A_134], %reshape3A_130 {strides = array<i32>} : memref<32x8192xf32, #tpu.memory_space<vmem>>, vector<1x512xf32>,
        } else {
        }
        %gt3A = arith.constant 1 : i32
        %gt3A_116 = arith.cmpi sgt, %reduce_sum3A_107, %gt3A : i32
        %convert_element_type3A_117 = arith.extui %gt3A_116 : i1 to i32
        %cond3A_118 = arith.constant 0 : i32
        %cond3A_119 = arith.cmpi ne, %convert_element_type3A_117, %cond3A_118 : i32
        scf.if %cond3A_119 {
          %get3A_120 = arith.constant 0 : index
          %get3A_121 = arith.constant 0 : index
          %get3A_122 = vector.load %arg9[%get3A_120, %get3A_121] : memref<8192x256xf32, #tpu.memory_space<vmem>>, vector<8192x256xf32>
          %sub3A_123 = vector.broadcast %get3A_110 : vector<1x256xf32> to vector<8192x256xf32>
          %sub3A_124 = arith.subf %sub3A_123, %get3A_122 : vector<8192x256xf32>
          %mul3A_125 = arith.mulf %sub3A_124, %sub3A_124 : vector<8192x256xf32>
          %reduce_sum3A_126 = arith.constant dense<0.000000e+00> : vector<8192xf32>
          %reduce_sum3A_127 = vector.multi_reduction <add>, %mul3A_125, %reduce_sum3A_126 [1] : vector<8192x256xf32> to vector<8192xf32>
          %reshape3A_128 = vector.shape_cast %reduce_sum3A_127 : vector<8192xf32> to vector<1x8192xf32>
          %swap3A_129 = arith.index_cast %scan3A_87 : i32 to index
          %swap3A_130 = arith.constant 0 : index
          %swap3A_131 = vector.load %arg10[%swap3A_129, %swap3A_130] : memref<32x8192xf32, #tpu.memory_space<vmem>>, vector<1x8192xf32>
          tpu.vector_store %arg10[%swap3A_129, %swap3A_130], %reshape3A_128 {strides = array<i32>} : memref<32x8192xf32, #tpu.memory_space<vmem>>, vector<1x8192xf32>,
        } else {
        }
      }
      %scan3A_86 = arith.constant 32 : i32
    } else {
    }
    return
  }
  func.func @transform_0(%arg0: i32) -> (i32, i32, i32) {
    %c0_i32 = arith.constant 0 : i32
    %c0_i32_0 = arith.constant 0 : i32
    %c0_i32_1 = arith.constant 0 : i32
    return %arg0, %c0_i32, %c0_i32_0 : i32, i32, i32
  }
  func.func @transform_1(%arg0: i32) -> (i32, i32, i32) {
    %c1_i32 = arith.constant 1 : i32
    %c0_i32 = arith.constant 0 : i32
    %c0_i32_0 = arith.constant 0 : i32
    return %arg0, %c1_i32, %c0_i32 : i32, i32, i32
  }
  func.func @transform_2(%arg0: i32) -> (i32, i32, i32) {
    %c2_i32 = arith.constant 2 : i32
    %c0_i32 = arith.constant 0 : i32
    %c0_i32_0 = arith.constant 0 : i32
    return %arg0, %c2_i32, %c0_i32 : i32, i32, i32
  }
  func.func @transform_3(%arg0: i32) -> (i32, i32, i32) {
    %c3_i32 = arith.constant 3 : i32
    %c0_i32 = arith.constant 0 : i32
    %c0_i32_0 = arith.constant 0 : i32
    return %arg0, %c3_i32, %c0_i32 : i32, i32, i32
  }
  func.func @transform_4(%arg0: i32) -> i32 {
    %c0_i32 = arith.constant 0 : i32
    %c0_i32_0 = arith.constant 0 : i32
    return %c0_i32 : i32
  }
  func.func @transform_5(%arg0: i32) -> (i32, i32) {
    %c0_i32 = arith.constant 0 : i32
    %c0_i32_0 = arith.constant 0 : i32
    %c0_i32_1 = arith.constant 0 : i32
    return %c0_i32, %c0_i32_0 : i32, i32
  }
  func.func @transform_6(%arg0: i32) -> (i32, i32) {
    %c0_i32 = arith.constant 0 : i32
    %c0_i32_0 = arith.constant 0 : i32
    %c0_i32_1 = arith.constant 0 : i32
    return %c0_i32, %c0_i32_0 : i32, i32
  }
  func.func @transform_7(%arg0: i32) -> (i32, i32) {
    %c0_i32 = arith.constant 0 : i32
    %c0_i32_0 = arith.constant 0 : i32
    %c0_i32_1 = arith.constant 0 : i32
    return %c0_i32, %c0_i32_0 : i32, i32
  }
  func.func @transform_8(%arg0: i32) -> (i32, i32) {
    %c0_i32 = arith.constant 0 : i32
    %c0_i32_0 = arith.constant 0 : i32
    %c0_i32_1 = arith.constant 0 : i32
    return %c0_i32, %c0_i32_0 : i32, i32
  }
  func.func @transform_9(%arg0: i32) -> (i32, i32) {
    %c0_i32 = arith.constant 0 : i32
    %c0_i32_0 = arith.constant 0 : i32
    %c0_i32_1 = arith.constant 0 : i32
    return %c0_i32, %c0_i32_0 : i32, i32
  }
  func.func @transform_10(%arg0: i32) -> (i32, i32) {
    %c0_i32 = arith.constant 0 : i32
    %c0_i32_0 = arith.constant 0 : i32
    %c0_i32_1 = arith.constant 0 : i32
    return %c0_i32, %c0_i32_0 : i32, i32
  }
}

</mosaic_0001>

<sc_bundles>
// kernel: kernel.4.cloned.1.call-start
scs
__scs_entry_jumppad:
0x0: {  	(pc) =	sbr.rel $0x88, $3  }
0x1: {  	(tag) =	ssettag $0x0;
	lr =	simm.s32 $0x1  }
0x2: {  	[smem:$0x3F9B] =	sst lr;
	_ =	strace $0xD0000000  }
0x3: {  	_ = 	snop  }
0x4: {  	_ = 	snop  }
0x5: {  	_ = 	snop  }
0x6: {  	_ = 	snop  }
0x7: {  	_ = 	snop  }
__scs_overlays_trampoline_lowered:
0x8: {  	[smem:$0x3FAA] =	sst s0  }
0x9: {  	[smem:$0x3FAB] =	sst s1  }
0xa: {  	[smem:$0x3FAC] =	sst s2  }
0xb: {  	[smem:$0x3FAD] =	sst s3  }
0xc: {  	[smem:$0x3FAE] =	sst s4  }
0xd: {  	[smem:$0x3FAF] =	sst s5  }
0xe: {  	[smem:$0x3FB0] =	sst s6  }
0xf: {  	[smem:$0x3FB1] =	sst s7  }
0x10: {  	[smem:$0x3FB2] =	sst s8  }
0x11: {  	[smem:$0x3FB3] =	sst s9;
	s0 =	simm.s32 @!p0 $0x0  }
0x12: {  	s1 =	sld [smem:$0x3F99];
	s0 =	simm.s32 @p0 $0x1  }
0x13: {  	[smem:$0x3FB4] =	sst s0;
	s0 =	simm.s32 @!p1 $0x0  }
0x14: {  	s2 =	sld [smem:$0x3F98];
	s0 =	simm.s32 @p1 $0x1  }
0x15: {  	[smem:$0x3FB5] =	sst s0;
	s0 =	simm.s32 @!p2 $0x0  }
0x16: {  	s3 =	sld [smem:$0x3FDB];
	s0 =	simm.s32 @p2 $0x1  }
0x17: {  	s4 =	simm.s32 $0x1BF5;
	[smem:$0x3FB7] =	sst s0  }
0x18: {  	s0 =	sld [smem:$0x3F9A];
	_ =	swait.ge [sflag:s4], $0x0  }
0x19: {  	s7 =	sld [smem:$0x3F9B]  }
0x1a: {  	s8 =	sadd.s32 $0xFFFFE003, lr  }
0x1b: {  	s9 =	sadd.s32 $0xFFFFFEF7, lr;
	s5 =	simm.s32 $0xFFFFFFFF;
	p2 =	slt.u32 s8, $0xFFFFF086  }
0x1c: {  	p1 =	slt.u32 s9, $0xF7A;
	s5 =	simm.s32 @!p2 $0x0  }
0x1d: {  	s5 =	simm.s32 @p1 $0x1;
	p0 =	seq.s32 s7, s2  }
0x1e: {  	s7 =	smul.u32 @!p0 $0xF7A, s2;
	p2 =	seq.s32 @!p0 s5, $0x0  }
0x1f: {  	s9 =	smul.u32 $0xF7A, s1;
	s8 =	simm.s32 @!p0 $0x1BF5;
	p2 =	por !p2, p0  }
0x20: {  	[sflag:s8] =	ssyncset.s32 @!p0 $0xFFFFF086;
	s6 =	sadd.s32 @!p0 s3, s7;
	s7 =	simm.s32 @!p0 $0x108  }
0x21: {  	s3 =	sadd.s32 s3, s9;
	s6 =	sadd.s32 @!p0 $0x88, s6;
	s7 =	simm.s32 @p2 $0x1082  }
0x22: {  	[simem:s7], [sflag:s8] =	dma.local @!p0 [hbm:s6], $0xF7A  }
0x23: {  	s9 =	sor.u32 $0xD0000000, s2;
	s6 =	simm.s32 $0x108;
	_ =	swait.ge @!p0 [sflag:s8], $0x0  }
0x24: {  	s3 =	sadd.s32 $0x88, s3;
	s6 =	simm.s32 @!p1 $0x1082;
	[sflag:s4] =	ssyncset.s32 $0xFFFFF086  }
0x25: {  	[simem:s6], [sflag:s4] =	dma.local [hbm:s3], $0xF7A  }
0x26: {  	[smem:$0x3F9B] =	sst s1;
	(tag) =	ssettag s2;
	_ =	strace s9  }
0x27: {  	s1 =	sld [smem:$0x3FAB]  }
0x28: {  	s2 =	sld [smem:$0x3FAC]  }
0x29: {  	s4 =	sld [smem:$0x3FAE]  }
0x2a: {  	p0 =	seq.s32 s5, $0x0;
	s5 =	sld [smem:$0x3FAF]  }
0x2b: {  	s6 =	sld [smem:$0x3FB0]  }
0x2c: {  	s7 =	sld [smem:$0x3FB1]  }
0x2d: {  	s3 =	simm.s32 $0x108;
	s8 =	sld [smem:$0x3FB2]  }
0x2e: {  	s3 =	simm.s32 @!p0 $0x1082;
	s9 =	sld [smem:$0x3FB3]  }
0x2f: {  	lr =	sadd.s32 s0, s3;
	s0 =	sld [smem:$0x3FAA]  }
0x30: {  	s3 =	sld [smem:$0x3FAD]  }
0x31: {  	[smem:$0x3FB6] =	sst s10  }
0x32: {  	s10 =	sld [smem:$0x3FB4];
	_ =	sdelay $0x3  }
0x33: {  	p0 =	seq.s32 s10, $0x1;
	s10 =	sld [smem:$0x3FB6];
	_ =	sdelay $0x3  }
0x34: {  	[smem:$0x3FB6] =	sst s10  }
0x35: {  	s10 =	sld [smem:$0x3FB5];
	_ =	sdelay $0x3  }
0x36: {  	p1 =	seq.s32 s10, $0x1;
	s10 =	sld [smem:$0x3FB6];
	_ =	sdelay $0x3  }
0x37: {  	[smem:$0x3FB6] =	sst s10  }
0x38: {  	s10 =	sld [smem:$0x3FB7]  }
0x39: {  	_ = 	snop;
	(pc) =	sbr.ind lr, $3  }
0x3a: {  	_ = 	snop  }
0x3b: {  	_ = 	snop  }
0x3c: {  	p2 =	seq.s32 s10, $0x1;
	s10 =	sld [smem:$0x3FB6]  }
0x3d: {  	_ =	shalt  }
0x3e: {  	_ =	shalt  }
0x3f: {  	_ =	shalt  }
0x40: {  	_ =	shalt  }
0x41: {  	_ =	shalt  }
0x42: {  	_ =	shalt  }
0x43: {  	_ =	shalt  }
0x44: {  	_ =	shalt  }
0x45: {  	_ =	shalt  }
0x46: {  	_ =	shalt  }
0x47: {  	_ =	shalt  }
0x48: {  	_ =	shalt  }
0x49: {  	_ =	shalt  }
0x4a: {  	_ =	shalt  }
0x4b: {  	_ =	shalt  }
0x4c: {  	_ =	shalt  }
0x4d: {  	_ =	shalt  }
0x4e: {  	_ =	shalt  }
0x4f: {  	_ =	shalt  }
0x50: {  	_ =	shalt  }
0x51: {  	_ =	shalt  }
0x52: {  	_ =	shalt  }
0x53: {  	_ =	shalt  }
0x54: {  	_ =	shalt  }
0x55: {  	_ =	shalt  }
0x56: {  	_ =	shalt  }
0x57: {  	_ =	shalt  }
0x58: {  	_ =	shalt  }
0x59: {  	_ =	shalt  }
0x5a: {  	_ =	shalt  }
0x5b: {  	_ =	shalt  }
0x5c: {  	_ =	shalt  }
0x5d: {  	_ =	shalt  }
0x5e: {  	_ =	shalt  }
0x5f: {  	_ =	shalt  }
0x60: {  	_ =	shalt  }
0x61: {  	_ =	shalt  }
0x62: {  	_ =	shalt  }
0x63: {  	_ =	shalt  }
0x64: {  	_ =	shalt  }
0x65: {  	_ =	shalt  }
0x66: {  	_ =	shalt  }
0x67: {  	_ =	shalt  }
0x68: {  	_ =	shalt  }
0x69: {  	_ =	shalt  }
0x6a: {  	_ =	shalt  }
0x6b: {  	_ =	shalt  }
0x6c: {  	_ =	shalt  }
0x6d: {  	_ =	shalt  }
0x6e: {  	_ =	shalt  }
0x6f: {  	_ =	shalt  }
0x70: {  	_ =	shalt  }
0x71: {  	_ =	shalt  }
0x72: {  	_ =	shalt  }
0x73: {  	_ =	shalt  }
0x74: {  	_ =	shalt  }
0x75: {  	_ =	shalt  }
0x76: {  	_ =	shalt  }
0x77: {  	_ =	shalt  }
0x78: {  	_ =	shalt  }
0x79: {  	_ =	shalt  }
0x7a: {  	_ =	shalt  }
0x7b: {  	_ =	shalt  }
0x7c: {  	_ =	shalt  }
0x7d: {  	_ =	shalt  }
0x7e: {  	_ =	shalt  }
0x7f: {  	_ =	shalt  }
0x80: {  	_ =	shalt  }
0x81: {  	_ =	shalt  }
0x82: {  	_ =	shalt  }
0x83: {  	_ =	shalt  }
0x84: {  	_ =	shalt  }
0x85: {  	_ =	shalt  }
0x86: {  	_ =	shalt  }
0x87: {  	_ =	shalt  }
.Lfunc_end0:
.L_simem_size_0:
called_computation_lowered:
.L_overlay_start_0:
0x88: {  	s2 =	sld [smem:$0x3FD9]  }
0x89: {  	s3 =	sld [smem:$0x3FFE];
	_ =	sdelay $0x1  }
0x8a: {  	s1 =	srdreg.scid  }
0x8b: {  	s0 =	sand.u32 $0x1, s1  }
0x8c: {  	s14 =	sshll.u32 s0, $0xA;
	s2 =	sadd.s32 s3, s2  }
0x8d: {  	s2 =	sadd.s32 s2, s14  }
0x8e: {  	[smem:$0x3FC2] =	sst s2  }
0x8f: {  	_ = 	snop  }
0x90: {  	s2 =	sld [smem:$0x3FD0];
	_ =	sdelay $0x2  }
0x91: {  	s4 =	simm.s32 $0xA;
	s5 =	simm.s32 $0x10;
	s15 =	sld [smem:$0x3FC4]  }
0x92: {  	[smem:s5], [sflag:s4] =	dma.local [hbm:s2], $0x1  }
0x93: {  	_ =	swait.eq [sflag:s4], $0x1  }
0x94: {  	[sflag:s4] =	ssyncset.done $0x0  }
0x95: {  	[sflag:s4] =	ssyncadd.s32 $0xFFFFFFFF  }
0x96: {  	s16 =	sld [smem:$0x10];
	(tm) =	ssettm $0x1  }
0x97: {  	s17 =	sld [smem:$0x3FFB];
	_ =	sdelay $0x3  }
0x98: {  	_ =	strace s17  }
0x99: {  	s4 =	sld [smem:$0x3FFC];
	_ =	sdelay $0x3  }
0x9a: {  	_ =	strace s4  }
0x9b: {  	s4 =	sld [smem:$0x3FFD];
	_ =	sdelay $0x3  }
0x9c: {  	_ =	strace s4  }
0x9d: {  	_ =	strace $0x8FFFFFFF  }
0x9e: {  	s18 =	sld [smem:$0x3FDB];
	_ =	sdelay $0x1  }
0x9f: {  	s19 =	simm.s32 $_scs_section_size  }
0xa0: {  	s6 =	simm.s32 $_size__tile_overlayer_lowered;
	s7 =	simm.s32 $_tile_overlayer_lowered  }
0xa1: {  	s22 =	simm.s32 $0x1BFF;
	s21 =	sshll.u32 s7, $0x1;
	s4 =	sadd.s32 s19, s18  }
0xa2: {  	s8 =	simm.s32 $0x0;
	s20 =	sshll.u32 s6, $0x1;
	s6 =	sadd.s32 s21, s4  }
0xa3: {  	[timem:s8], [sflag:s22] =	dma.local [hbm:s6], s20  }
0xa4: {  	_ =	swait.ge [sflag:s22], s20  }
0xa5: {  	s5 =	ssub.s32 $0x0, s20;
	[sflag:s22] =	ssyncset.done $0x0  }
0xa6: {  	[sflag:s22] =	ssyncadd.s32 s5;
	_ =	sdelay $0x1  }
0xa7: {  	s23 =	simm.s32 $0x1B8B  }
0xa8: {  	_ =	swait.ge [sflag:s23], $0x1  }
0xa9: {  	[sflag:s23] =	ssyncset.done $0x0  }
0xaa: {  	s25 =	simm.s32 $0x1B8E;
	s24 =	sld [smem:$0x3FFE];
	[sflag:s23] =	ssyncadd.s32 $0xFFFFFFFF  }
0xab: {  	s26 =	simm.s32 $execute0_lowered;
	[smem:$0x3FD2] =	sst s25  }
0xac: {  	s6 =	sshll.u32 s26, $0x1;
	_ =	strace $0x80000046;
	[dreg:$0x1] =	wrdreg $0xFFFFFFFF  }
0xad: {  	s28 =	simm.s32 $_size_execute0_lowered;
	s4 =	sadd.s32 s4, s6;
	[dreg:$0x0] =	wrdreg $0x0  }
0xae: {  	s6 =	sshll.u32 s28, $0x1;
	[dreg:$0x2] =	wrdreg s4  }
0xaf: {  	[dreg:$0x3] =	wrdreg s6  }
0xb0: {  	[dreg:$0x4] =	wrdreg $0xC0  }
0xb1: {  	_ =	task [dreg:s8], $0x5FFFF  }
0xb2: {  	[dreg:$0x1] =	wrdreg $0xFFFFFFFF  }
0xb3: {  	[dreg:$0x0] =	wrdreg $0x60  }
0xb4: {  	[dreg:$0x2] =	wrdreg s24  }
0xb5: {  	[dreg:$0x3] =	wrdreg s15  }
0xb6: {  	[dreg:$0x4] =	wrdreg s16  }
0xb7: {  	[dreg:$0x5] =	wrdreg $0x9  }
0xb8: {  	_ =	task.clear_ibuf [dreg:s8], $0x6FFFF;
	_ =	strace $0x90000046  }
0xb9: {  	s29 =	simm.s32 $0x9;
	_ =	strace $0x80000048  }
0xba: {  	_ =	swait.ge [sflag:s29], $0x1  }
0xbb: {  	[sflag:s29] =	ssyncadd.s32 $0xFFFFFFFF  }
0xbc: {  	_ =	strace $0x90000048  }
0xbd: {  	_ =	sfence  }
0xbe: {  	s30 =	sld [smem:$0x0];
	_ =	sdelay $0x2  }
0xbf: {  	s31 =	sshll.u32 s1, $0xD;
	s1 =	sshrl.u32 s1, $0x2  }
0xc0: {  	s3 =	sand.u32 $0x4000, s31;
	s1 =	sadd.s32 s1, s30  }
0xc1: {  	s0 =	sor.u32 s3, s0;
	s1 =	sshll.u32 s1, $0x11  }
0xc2: {  	s0 =	sor.u32 s1, s0  }
0xc3: {  	s0 =	sadd.s32 $0x8F2B, s0  }
0xc4: {  	[sflag:s0] =	ssyncadd.remote.s32 $0x1  }
0xc5: {  	_ =	sfence.sel $0xFFFF  }
0xc6: {  	[dreg:$0x0] =	wrdreg $0xFFFFFFFF;
	(pc) =	sbr.abs _section_cstart, $3  }
0xc7: {  	[dreg:$0x1] =	wrdreg $0xFFFFFFFF  }
0xc8: {  	_ =	task.clear_ibuf [dreg:s8], $0x2FFFF;
	_ =	strace $0x9FFFFFFF  }
0xc9: {  	(tm) =	ssettm $0x7FFFFFFF  }
tec
execute0_lowered:
.L_overlay_start_1:
0x0: {  	(tag) =	ssettag $0x1  }
0x1: {  	s4 =	rddreg [dreg:$0x0]  }
0x2: {  	s1 =	rddreg [dreg:$0x1];
	s2 =	srdreg.scid  }
0x3: {  	s0 =	stileid.u32;
	s6 =	rddreg [dreg:$0x2]  }
0x4: {  	s12 =	simm.s32 $0x3000;
	s13 =	simm.s32 $0x2000;
	s14 =	simm.s32 $0x2800  }
0x5: {  	v0 =	vimm.s32 $0xEFCDAB89;
	v1 =	vimm.s32 $0x67452301;
	s15 =	simm.s32 $0x1;
	s17 =	simm.s32 $0x2400;
	s18 =	simm.s32 $0x3100  }
0x6: {  	v2 =	vimm.s32 $0xDCFE98BA;
	v3 =	vimm.s32 $0x54761032;
	v4 =	vimm.s32 $0xBA98FEDC;
	s19 =	simm.s32 $0x0;
	s5 =	sand.u32 $0x1, s2;
	s3 =	sshll.u32 s0, $0x1  }
0x7: {  	v5 =	vimm.s32 $0x32107654;
	v6 =	vimm.s32 $0xFEDCBA98;
	v7 =	vimm.s32 $0x76543210;
	s2 =	rddreg [dreg:$0x3];
	s8 =	sshrl.u32 s0, $0x2;
	s7 =	sor.u32 s5, s3  }
0x8: {  	v0 =	vunpack.c.l.s4.s8 v0;
	v1 =	vunpack.c.l.s4.s8 v1;
	v2 =	vunpack.c.l.s4.s8 v2;
	s3 =	simm.s32 $0x0;
	s10 =	sshll.u32 s8, $0x10;
	s11 =	sshll.u32 s8, $0xB  }
0x9: {  	v3 =	vunpack.c.l.s4.s8 v3;
	v4 =	vunpack.c.l.s4.s8 v4;
	v5 =	vunpack.c.l.s4.s8 v5;
	s8 =	sshll.u32 s8, $0xA;
	s5 =	ssub.s32 $0x2, s5;
	s9 =	sshll.u32 s7, $0x7  }
0xa: {  	[smem:$0x7FF] =	sst s3;
	v0 =	vunpack.c.0.s8.s32 v0;
	v1 =	vunpack.c.0.s8.s32 v1;
	v2 =	vunpack.c.0.s8.s32 v2;
	s30 =	sshrl.u32 s5, $0x1;
	s7 =	sshll.u32 s7, $0x5  }
0xb: {  	v3 =	vunpack.c.0.s8.s32 v3;
	v4 =	vunpack.c.0.s8.s32 v4;
	v5 =	vunpack.c.0.s8.s32 v5;
	s9 =	sand.u32 $0x380, s9;
	_ =	strace $0x80000047;
	s31 =	ssub.s32 s5, s30  }
0xc: {  	v6 =	vunpack.c.l.s4.s8 v6;
	v7 =	vunpack.c.l.s4.s8 v7;
	s6 =	sadd.s32 s6, s7;
	s10 =	sor.u32 s10, s9;
	s11 =	sor.u32 s11, s9;
	v1 =	vcombine.low v1, v0  }
0xd: {  	vm0 =	vmmov $0xffff;
	s8 =	sor.u32 s8, s9;
	v2 =	vcombine.low v3, v2;
	v3 =	vcombine.low v5, v4;
	s16 =	sadd.s32 $0x10, s6;
	s10 =	sshrl.u32 s10, $0x3  }
0xe: {  	v4 =	vunpack.c.0.s8.s32 v6;
	v0 =	vlaneseq.u32;
	v5 =	vunpack.c.0.s8.s32 v7;
	s29 =	sshrl.u32 s11, $0x3;
	s8 =	sshrl.u32 s8, $0x3;
	s11 =	simm.s32 $0x2  }
0xf: {  	v6 =	vshrl.u32 v0, $0x3;
	v7 =	vor.u32 $0x8, v0;
	s10 =	sadd.s32 s10, s4;
	s9 =	sadd.s32 s29, s4;
	s8 =	sadd.s32 s8, s4;
	v1 =	vand.u32 $0xF, v1  }
0x10: {  	v2 =	vand.u32 $0xF, v2;
	v3 =	vand.u32 $0xF, v3;
	v4 =	vand.u32 $0xF, v4;
	s4 =	sadd.s32 $0x1600, s10;
	s5 =	sadd.s32 $0x9600, s9;
	s7 =	sadd.s32 $0x9A00, s8  }
0x11: {  	v6 =	vmul.u32 $0x8, v6;
	s8 =	smax.u32 s31, $0x1;
	s9 =	simm.s32 $0x80;
	s10 =	simm.s32 $0x400;
	v4 =	vcombine.low v4, v5;
	v5 =	vand.u32 $0x7, v0  }
.LBB2_1:
0x12: {  	[tilespmem:s3], [sflag:$0x2] =	stream.strided.gather [hbm4b:s4+s9], $0x2000, s10, s9, $0x38;
	[tilespmem:$0x3180] =	vst v63  }
0x13: {  	_ =	swait.ge [sflag:s11], $0x2000  }
0x14: {  	[sflag:s11] =	ssyncset.done $0x0  }
0x15: {  	[sflag:s11] =	ssyncadd.s32 $0xFFFFE000  }
0x16: {  	[tilespmem:s12], [sflag:$0x2] =	stream.strided.gather [hbm4b:s5+s9], $0x100, s10, s9, $0x38;
	[tilespmem:$0x3180] =	vst v63  }
0x17: {  	_ =	swait.ge [sflag:s11], $0x100  }
0x18: {  	[sflag:s11] =	ssyncset.done $0x0  }
0x19: {  	[sflag:s11] =	ssyncadd.s32 $0xFFFFFF00  }
0x1a: {  	v9 =	vld [tilespmem:s3+$0x0];
	_ =	sdelay $0x3  }
0x1b: {  	v10 =	vimm.f32 $3.399999950e+38  }
0x1c: {  	v8 =	vimm.s32 $0x40000000;
	s20 =	simm.s32 $0x10;
	v11 =	vor.u32 s3, v0;
	s21 =	simm.s32 $0x10;
	vm1 =	vlt.f32 v9, v10  }
.LBB2_2:
0x1d: {  	p0 =	sne.s32 s20, $0x1FF0;
	v10 =	vsel vm1, v9, v10;
	v9 =	vld [tilespmem:s21+$0x0];
	v8 =	vsel vm1, v11, v8;
	s22 =	smov.u32 s20;
	s20 =	sadd.s32 $0x10, s20  }
.Ltmp0:
0x1e: {  	(pc) =	sbr.rel @p0 .LBB2_2-.Ltmp0, $2  }
0x1f: {  	_ =	sdelay $0x2  }
0x20: {  	s21 =	sadd.s32 $0x10, s21;
	v11 =	vor.u32 s22, v0;
	vm1 =	vlt.f32 v9, v10  }
0x21: {  	v9 =	vsel vm1, v9, v10  }
0x22: {  	v10 =	vperm.xlane v9, v1;
	_ =	sdelay $0x1  }
0x23: {  	v10 =	vmin.f32 v9, v10  }
0x24: {  	v12 =	vperm.xlane v10, v2;
	_ =	sdelay $0x1  }
0x25: {  	v10 =	vmin.f32 v10, v12  }
0x26: {  	v12 =	vperm.xlane v10, v3;
	_ =	sdelay $0x1  }
0x27: {  	v10 =	vmin.f32 v10, v12  }
0x28: {  	v12 =	vperm.xlane v10, v4;
	_ =	sdelay $0x1  }
0x29: {  	v10 =	vmin.f32 v10, v12  }
0x2a: {  	v8 =	vsel vm1, v11, v8;
	vm1 =	veq.f32 v9, v10  }
0x2b: {  	v8 =	vnsel vm1, $0x40000000, v8  }
0x2c: {  	v55 =	vperm.xlane v8, v1;
	_ =	sdelay $0x1  }
0x2d: {  	vm1 =	vlt.s32 v8, v55  }
0x2e: {  	v8 =	vsel vm1, v8, v55  }
0x2f: {  	v9 =	vperm.xlane v8, v2;
	_ =	sdelay $0x1  }
0x30: {  	vm1 =	vlt.s32 v8, v9  }
0x31: {  	v8 =	vsel vm1, v8, v9  }
0x32: {  	v9 =	vperm.xlane v8, v3;
	_ =	sdelay $0x1  }
0x33: {  	vm1 =	vlt.s32 v8, v9  }
0x34: {  	v8 =	vsel vm1, v8, v9  }
0x35: {  	v9 =	vperm.xlane v8, v4;
	_ =	sdelay $0x1  }
0x36: {  	vm1 =	vlt.s32 v8, v9  }
0x37: {  	v8 =	vsel vm1, v8, v9  }
0x38: {  	v9 =	vshll.u32 v8, $0x1  }
0x39: {  	v8 =	vand.u32 $0x7, v8;
	v9 =	vand.u32 $0xFFFFFFF0, v9  }
0x3a: {  	v8 =	vor.u32 v8, v9  }
0x3b: {  	v9 =	vperm.xlane v8, v5;
	_ =	sdelay $0x1  }
0x3c: {  	v8 =	vperm.xlane v8, v7;
	v9 =	vadd.s32 v6, v9;
	_ =	sdelay $0x1  }
0x3d: {  	v8 =	vadd.s32 v6, v8;
	_ =	sdelay $0x2  }
0x3e: {  	[tilespmem:s13], [sflag:$0x1] =	stream.indirect_vreg.gather [hbm4b:s1+s3], $0x80, v9, vm0, $0xb8;
	[tilespmem:$0x3180] =	vst v63  }
0x3f: {  	_ = 	snop  }
0x40: {  	[tilespmem:s14], [sflag:$0x1] =	stream.indirect_vreg.gather [hbm4b:s1+s3], $0x80, v8, vm0, $0xb8;
	[tilespmem:$0x3180] =	vst v63  }
0x41: {  	_ =	swait.ge [sflag:s15], $0x1000  }
0x42: {  	[sflag:s15] =	ssyncset.done $0x0  }
0x43: {  	[sflag:s15] =	ssyncadd.s32 $0xFFFFF000  }
0x44: {  	v8 =	vld [tilespmem:$0x2000]  }
0x45: {  	v56 =	vld [tilespmem:$0x3000]  }
0x46: {  	v57 =	vld [tilespmem:$0x2010]  }
0x47: {  	v58 =	vld [tilespmem:$0x3010]  }
0x48: {  	v59 =	vld [tilespmem:$0x2020]  }
0x49: {  	v13 =	vld [tilespmem:$0x3020]  }
0x4a: {  	v14 =	vld [tilespmem:$0x2030]  }
0x4b: {  	v15 =	vld [tilespmem:$0x3030]  }
0x4c: {  	v61 =	vld [tilespmem:$0x2040];
	v8 =	vsub.f32 v8, v56;
	v60 =	vsub.f32 v57, v58  }
0x4d: {  	v62 =	vld [tilespmem:$0x3040]  }
0x4e: {  	v63 =	vld [tilespmem:$0x2050];
	v12 =	vsub.f32 v59, v13;
	v8 =	vmul.f32 v8, v8;
	v9 =	vmul.f32 v60, v60  }
0x4f: {  	v16 =	vld [tilespmem:$0x3050]  }
0x50: {  	v22 =	vld [tilespmem:$0x2060];
	v21 =	vsub.f32 v14, v15;
	v20 =	vmul.f32 v12, v12;
	v8 =	vadd.f32 v9, v8  }
0x51: {  	v23 =	vld [tilespmem:$0x3060]  }
0x52: {  	v25 =	vld [tilespmem:$0x2070];
	v10 =	vsub.f32 v61, v62;
	v24 =	vmul.f32 v21, v21;
	v8 =	vadd.f32 v20, v8  }
0x53: {  	v26 =	vld [tilespmem:$0x3070]  }
0x54: {  	v29 =	vld [tilespmem:$0x2400];
	v28 =	vsub.f32 v63, v16;
	v27 =	vmul.f32 v10, v10;
	v8 =	vadd.f32 v24, v8  }
0x55: {  	v30 =	vld [tilespmem:$0x3080]  }
0x56: {  	v33 =	vld [tilespmem:$0x2410];
	v32 =	vsub.f32 v22, v23;
	v31 =	vmul.f32 v28, v28;
	v8 =	vadd.f32 v27, v8  }
0x57: {  	v34 =	vld [tilespmem:$0x3090]  }
0x58: {  	v37 =	vld [tilespmem:$0x2420];
	v36 =	vsub.f32 v25, v26;
	v35 =	vmul.f32 v32, v32;
	v8 =	vadd.f32 v31, v8  }
0x59: {  	v38 =	vld [tilespmem:$0x30A0]  }
0x5a: {  	v41 =	vld [tilespmem:$0x2430];
	v40 =	vsub.f32 v29, v30;
	v39 =	vmul.f32 v36, v36;
	v8 =	vadd.f32 v35, v8  }
0x5b: {  	v42 =	vld [tilespmem:$0x30B0]  }
0x5c: {  	v45 =	vld [tilespmem:$0x2440];
	v44 =	vsub.f32 v33, v34;
	v43 =	vmul.f32 v40, v40;
	v8 =	vadd.f32 v39, v8  }
0x5d: {  	v46 =	vld [tilespmem:$0x30C0]  }
0x5e: {  	v49 =	vld [tilespmem:$0x2450];
	v48 =	vsub.f32 v37, v38;
	v47 =	vmul.f32 v44, v44;
	v8 =	vadd.f32 v43, v8  }
0x5f: {  	v50 =	vld [tilespmem:$0x30D0]  }
0x60: {  	v53 =	vld [tilespmem:$0x2460];
	v52 =	vsub.f32 v41, v42;
	v51 =	vmul.f32 v48, v48;
	v8 =	vadd.f32 v47, v8  }
0x61: {  	v54 =	vld [tilespmem:$0x30E0]  }
0x62: {  	v56 =	vsub.f32 v45, v46;
	v57 =	vld [tilespmem:$0x2470];
	v55 =	vmul.f32 v52, v52;
	v8 =	vadd.f32 v51, v8  }
0x63: {  	v58 =	vld [tilespmem:$0x30F0]  }
0x64: {  	v59 =	vsub.f32 v49, v50;
	v10 =	vmul.f32 v56, v56;
	v8 =	vadd.f32 v55, v8;
	_ =	sdelay $0x1  }
0x65: {  	v60 =	vsub.f32 v53, v54;
	v9 =	vmul.f32 v59, v59;
	v8 =	vadd.f32 v10, v8;
	_ =	sdelay $0x1  }
0x66: {  	v61 =	vmul.f32 v60, v60;
	v62 =	vsub.f32 v57, v58;
	v8 =	vadd.f32 v9, v8;
	_ =	sdelay $0x1  }
0x67: {  	v63 =	vmul.f32 v62, v62;
	v8 =	vadd.f32 v61, v8;
	_ =	sdelay $0x1  }
0x68: {  	v8 =	vadd.f32 v63, v8;
	_ =	sdelay $0x1  }
0x69: {  	v9 =	vperm.xlane v8, v1;
	_ =	sdelay $0x1  }
0x6a: {  	v8 =	vadd.f32 v8, v9;
	_ =	sdelay $0x1  }
0x6b: {  	v9 =	vperm.xlane v8, v2;
	_ =	sdelay $0x1  }
0x6c: {  	v8 =	vadd.f32 v8, v9;
	_ =	sdelay $0x1  }
0x6d: {  	v9 =	vperm.xlane v8, v3;
	_ =	sdelay $0x1  }
0x6e: {  	[hbm4b:s6+s3] =	stream.linear.scatter [tilespmem:s13], [sflag:$0x2], $0x80, $0x38;
	v8 =	vadd.f32 v8, v9;
	[tilespmem:$0x3180] =	vst v63  }
0x6f: {  	_ = 	snop  }
0x70: {  	[hbm4b:s16+s3] =	stream.linear.scatter [tilespmem:s17], [sflag:$0x2], $0x80, $0x38;
	v9 =	vperm.xlane v8, v4;
	[tilespmem:$0x3180] =	vst v63  }
0x71: {  	_ =	swait.ge [sflag:s11], $0x100  }
0x72: {  	s19 =	sadd.s32 $0x1, s19;
	[sflag:s11] =	ssyncset.done $0x0;
	v8 =	vadd.f32 v8, v9  }
0x73: {  	p0 =	sne.s32 s19, s8;
	[sflag:s11] =	ssyncadd.s32 $0xFFFFFF00  }
.Ltmp1:
0x74: {  	[tilespmem:$0x3100] =	vst v8;
	(pc) =	sbr.rel @p0 .LBB2_1-.Ltmp1, $4  }
0x75: {  	[hbm4b:s7+s3] =	stream.linear.scatter [tilespmem:s18], [sflag:$0x2], $0x80, $0x38;
	[tilespmem:$0x3180] =	vst v63  }
0x76: {  	_ =	swait.ge [sflag:s11], $0x80  }
0x77: {  	[sflag:s11] =	ssyncset.done $0x0  }
0x78: {  	[sflag:s11] =	ssyncadd.s32 $0xFFFFFF80  }
0x79: {  	_ =	sfence.sel $0x180000  }
0x7a: {  	[bflag:$0x0] =	sbarrier.arrive $0xFFFF  }
0x7b: {  	p0 =	sne.s32 s0, $0x0;
	_ =	strace $0x90000047  }
0x7c: {  	s0 =	sadd.s32 @!p0 $0x100000, s2;
	[bflag:$0x2] =	sbarrier.arrive $0xFFFF  }
0x7d: {  	[sflag:s0] =	ssyncadd.tile.s32 @!p0 $0x1;
	_ =	shalt  }
.Lfunc_end2:
_tile_overlayer_lowered:
.L_overlay_start_2:
0x7e: {  	(tag) =	ssettag $0x2  }
0x7f: {  	s0 =	rddreg [dreg:$0x0];
	s2 =	stileid.u32  }
0x80: {  	s1 =	rddreg [dreg:$0x1];
	p0 =	sne.s32 s2, $0x0  }
0x81: {  	s3 =	rddreg [dreg:$0x2];
	[bflag:$0x3] =	sbarrier.arrive $0xFFFF;
	s2 =	simm.s32 @!p0 $0x1C02  }
0x82: {  	[timem:s3], [sflag:s2] =	dma.local @!p0 [hbm:s0], s1  }
0x83: {  	s0 =	simm.s32 @!p0 $0x2  }
0x84: {  	_ =	swait.ge @!p0 [sflag:s0], s1  }
0x85: {  	s1 =	ssub.s32 @!p0 $0x0, s1;
	[sflag:s0] =	ssyncset.done @!p0 $0x0  }
0x86: {  	[sflag:s0] =	ssyncadd.s32 @!p0 s1  }
0x87: {  	[bflag:$0x3] =	sbarrier.arrive $0xFFFF  }
0x88: {  	_ =	shalt  }

</sc_bundles>
